<compile_context>
chip_gen: v7x
topology: tpu7x:2x2x1
jax: 0.10.2.dev20260603
libtpu: 0.0.44.dev20260713+nightly
codegen_flags: <defaults>
</compile_context>

<pallas_src>
import functools

import jax
import jax.numpy as jnp
from jax import lax
from jax.experimental import pallas as pl
from jax.experimental.pallas import tpu as pltpu
from jax.experimental.pallas import tpu_sc as plsc

B = 4096
N_CONT = 13
N_CAT = 26
VOCAB = 1000
EMB = 16
D_MODEL = 128
N_EXPERTS = 8
TOP_K = 2
D_FF = 256
N_LAYERS = 2
N_CLASSES = 2
HIDDEN = max(D_FF, D_MODEL)

BT = 2048
GRID = B // BT
NROWS = B * N_CAT


def _embed_gather_sc(table, idx):
    info = plsc.get_sparse_core_info()
    nw = info.num_cores * info.num_subcores
    b_per_w = NROWS // nw
    nc = info.num_cores
    mesh = plsc.VectorSubcoreMesh(core_axis_name="c", subcore_axis_name="s")

    @functools.partial(
        pl.kernel,
        mesh=mesh,
        out_type=jax.ShapeDtypeStruct((NROWS, EMB), jnp.float32),
        scratch_types=[
            pltpu.VMEM((b_per_w,), jnp.int32),
            pltpu.VMEM((b_per_w, EMB), jnp.float32),
            pltpu.SemaphoreType.DMA,
        ],
        compiler_params=pltpu.CompilerParams(use_tc_tiling_on_sc=False),
    )
    def gather(table_hbm, idx_hbm, out_hbm, idx_v, rows_v, sem):
        wid = lax.axis_index("s") * nc + lax.axis_index("c")
        base = wid * b_per_w
        pltpu.sync_copy(idx_hbm.at[pl.ds(base, b_per_w)], idx_v)

        lanes = lax.iota(jnp.int32, 16)

        def add_off(i, carry):
            t = (i * 16) % N_CAT + lanes
            t = jnp.where(t >= N_CAT, t - N_CAT, t)
            sl = pl.ds(i * 16, 16)
            idx_v[sl] = idx_v[sl] + t * VOCAB
            return carry

        lax.fori_loop(0, b_per_w // 16, add_off, 0)
        pltpu.async_copy(table_hbm.at[idx_v], rows_v, sem).wait()
        pltpu.sync_copy(rows_v, out_hbm.at[pl.ds(base, b_per_w)])

    return gather(table, idx)


def _dot(a, b):
    return jax.lax.dot_general(
        a, b, (((a.ndim - 1,), (0,)), ((), ())),
        preferred_element_type=jnp.float32)


def _layer_norm(x, g, b):
    mu = jnp.mean(x, axis=-1, keepdims=True)
    xc = x - mu
    var = jnp.mean(xc * xc, axis=-1, keepdims=True)
    return xc / jnp.sqrt(var + 1e-5) * g + b


def _net_body(cont_ref, cate_ref, wp_ref, bp_ref, wv_ref, wo_ref,
              ln1g_ref, ln1b_ref, ln2g_ref, ln2b_ref, wr_ref, w1_ref, b1_ref,
              w2_ref, b2_ref, wc1_ref, bc1_ref, wc2_ref, bc2_ref,
              logits_ref, aux_ref, acc_ref):
    step = pl.program_id(0)

    @pl.when(step == 0)
    def _init():
        acc_ref[...] = jnp.zeros_like(acc_ref)

    x = jnp.concatenate([cont_ref[...], cate_ref[...]], axis=1)
    z = _dot(x, wp_ref[...]) + bp_ref[...]
    for l in range(N_LAYERS):
        attn = _dot(_dot(z, wv_ref[l]), wo_ref[l])
        z = _layer_norm(z + attn, ln1g_ref[l], ln1b_ref[l])
        probs = jax.nn.softmax(_dot(z, wr_ref[l]), axis=-1)
        iota = lax.broadcasted_iota(jnp.int32, probs.shape, 1)
        m1 = jnp.max(probs, axis=-1, keepdims=True)
        i1 = jnp.min(jnp.where(probs == m1, iota, N_EXPERTS), axis=-1,
                     keepdims=True)
        oh1 = iota == i1
        p2 = jnp.where(oh1, -1.0, probs)
        m2 = jnp.max(p2, axis=-1, keepdims=True)
        i2 = jnp.min(jnp.where(p2 == m2, iota, N_EXPERTS), axis=-1,
                     keepdims=True)
        oh2 = iota == i2
        denom = m1 + m2 + 1e-9
        combine = (jnp.where(oh1, m1 / denom, 0.0)
                   + jnp.where(oh2, m2 / denom, 0.0))
        acc_ref[2 * l:2 * l + 1, :] += jnp.sum(probs, axis=0, keepdims=True)
        acc_ref[2 * l + 1:2 * l + 2, :] += jnp.sum(
            (combine > 0).astype(jnp.float32), axis=0, keepdims=True)
        moe = jnp.zeros_like(z)
        for e in range(N_EXPERTS):
            h = jax.nn.gelu(_dot(z, w1_ref[l, e]) + b1_ref[l, e])
            y = _dot(h, w2_ref[l, e]) + b2_ref[l, e]
            moe = moe + y * combine[:, e:e + 1]
        z = _layer_norm(z + moe, ln2g_ref[l], ln2b_ref[l])
    hc = jax.nn.gelu(_dot(z, wc1_ref[...]) + bc1_ref[...])
    logits_ref[...] = _dot(hc, wc2_ref[...]) + bc2_ref[...]

    @pl.when(step == GRID - 1)
    def _fin():
        scale = float(N_EXPERTS) / (B * B)
        a0 = jnp.sum(acc_ref[0:1, :] * acc_ref[1:2, :]) * scale
        a1 = jnp.sum(acc_ref[2:3, :] * acc_ref[3:4, :]) * scale
        aux_ref[...] = jnp.concatenate(
            [jnp.full((1, 1), a0, jnp.float32),
             jnp.full((1, 1), a1, jnp.float32)], axis=1)


def _net_tc(cont, cate, p):
    d = D_MODEL
    full = lambda *shape: pl.BlockSpec(shape, lambda i: (0,) * len(shape))
    in_specs = [
        pl.BlockSpec((BT, N_CONT), lambda i: (i, 0)),
        pl.BlockSpec((BT, N_CAT * EMB), lambda i: (i, 0)),
        full(N_CONT + N_CAT * EMB, d),
        full(1, d),
        full(N_LAYERS, d, d),
        full(N_LAYERS, d, d),
        full(N_LAYERS, 1, d),
        full(N_LAYERS, 1, d),
        full(N_LAYERS, 1, d),
        full(N_LAYERS, 1, d),
        full(N_LAYERS, d, N_EXPERTS),
        full(N_LAYERS, N_EXPERTS, d, D_FF),
        full(N_LAYERS, N_EXPERTS, 1, D_FF),
        full(N_LAYERS, N_EXPERTS, D_FF, d),
        full(N_LAYERS, N_EXPERTS, 1, d),
        full(d, HIDDEN),
        full(1, HIDDEN),
        full(HIDDEN, N_CLASSES),
        full(1, N_CLASSES),
    ]
    logits, aux = pl.pallas_call(
        _net_body,
        grid=(GRID,),
        in_specs=in_specs,
        out_specs=[
            pl.BlockSpec((BT, N_CLASSES), lambda i: (i, 0)),
            pl.BlockSpec((1, N_LAYERS), lambda i: (0, 0)),
        ],
        out_shape=[
            jax.ShapeDtypeStruct((B, N_CLASSES), jnp.float32),
            jax.ShapeDtypeStruct((1, N_LAYERS), jnp.float32),
        ],
        scratch_shapes=[pltpu.VMEM((2 * N_LAYERS, N_EXPERTS), jnp.float32)],
    )(
        cont, cate,
        p['Wp'], p['bp'].reshape(1, d),
        p['Wv'], p['Wo'],
        p['ln1_g'].reshape(N_LAYERS, 1, d), p['ln1_b'].reshape(N_LAYERS, 1, d),
        p['ln2_g'].reshape(N_LAYERS, 1, d), p['ln2_b'].reshape(N_LAYERS, 1, d),
        p['Wr'], p['W1'], p['b1'].reshape(N_LAYERS, N_EXPERTS, 1, D_FF),
        p['W2'], p['b2'].reshape(N_LAYERS, N_EXPERTS, 1, d),
        p['Wc1'], p['bc1'].reshape(1, HIDDEN),
        p['Wc2'], p['bc2'].reshape(1, N_CLASSES),
    )
    return logits, aux.reshape(N_LAYERS)


def kernel(cont, params, cat):
    table = params['emb'].reshape(N_CAT * VOCAB, EMB)
    idx = cat.astype(jnp.int32).reshape(-1)
    cate = _embed_gather_sc(table, idx).reshape(B, N_CAT * EMB)
    return _net_tc(cont, cate, params)

# --- scband reference (transcript-rebuilt; emitter-appended) ---
"""Pipeline reference for scband-tabular-mo-epredictor-32186484917038 (READ-ONLY COPY).

The authoritative reference and input builder live on the scoring server;
editing this copy changes nothing except your own understanding.
"""

import jax, jax.numpy as jnp
import numpy as np

B = 4096
N_CONT = 13
N_CAT = 26
VOCAB = 1000
EMB = 16
D_MODEL = 128
N_EXPERTS = 8
TOP_K = 2
D_FF = 256
N_LAYERS = 2
N_HEADS = 4
N_CLASSES = 2
HIDDEN = max(D_FF, D_MODEL)
IN_DIM = N_CONT + N_CAT * EMB
HEAD_DIM = D_MODEL // N_HEADS


def setup_inputs(seed: int = 0):
    key = jax.random.key(seed)
    ks = jax.random.split(key, 16)
    params = {
        'emb': jax.random.normal(ks[0], (N_CAT, VOCAB, EMB), jnp.float32) * 0.02,
        'Wp': jax.random.normal(ks[1], (IN_DIM, D_MODEL), jnp.float32) * (1.0 / np.sqrt(IN_DIM)),
        'bp': jnp.zeros((D_MODEL,), jnp.float32),
        'Wq': jax.random.normal(ks[2], (N_LAYERS, D_MODEL, D_MODEL), jnp.float32) * (1.0 / np.sqrt(D_MODEL)),
        'Wk': jax.random.normal(ks[3], (N_LAYERS, D_MODEL, D_MODEL), jnp.float32) * (1.0 / np.sqrt(D_MODEL)),
        'Wv': jax.random.normal(ks[4], (N_LAYERS, D_MODEL, D_MODEL), jnp.float32) * (1.0 / np.sqrt(D_MODEL)),
        'Wo': jax.random.normal(ks[5], (N_LAYERS, D_MODEL, D_MODEL), jnp.float32) * (1.0 / np.sqrt(D_MODEL)),
        'ln1_g': jnp.ones((N_LAYERS, D_MODEL), jnp.float32),
        'ln1_b': jnp.zeros((N_LAYERS, D_MODEL), jnp.float32),
        'ln2_g': jnp.ones((N_LAYERS, D_MODEL), jnp.float32),
        'ln2_b': jnp.zeros((N_LAYERS, D_MODEL), jnp.float32),
        'Wr': jax.random.normal(ks[6], (N_LAYERS, D_MODEL, N_EXPERTS), jnp.float32) * 0.02,
        'W1': jax.random.normal(ks[7], (N_LAYERS, N_EXPERTS, D_MODEL, D_FF), jnp.float32) * (1.0 / np.sqrt(D_MODEL)),
        'b1': jnp.zeros((N_LAYERS, N_EXPERTS, D_FF), jnp.float32),
        'W2': jax.random.normal(ks[8], (N_LAYERS, N_EXPERTS, D_FF, D_MODEL), jnp.float32) * (1.0 / np.sqrt(D_FF)),
        'b2': jnp.zeros((N_LAYERS, N_EXPERTS, D_MODEL), jnp.float32),
        'Wc1': jax.random.normal(ks[9], (D_MODEL, HIDDEN), jnp.float32) * (1.0 / np.sqrt(D_MODEL)),
        'bc1': jnp.zeros((HIDDEN,), jnp.float32),
        'Wc2': jax.random.normal(ks[10], (HIDDEN, N_CLASSES), jnp.float32) * (1.0 / np.sqrt(HIDDEN)),
        'bc2': jnp.zeros((N_CLASSES,), jnp.float32),
    }
    return {
        'cont': jax.random.normal(ks[11], (B, N_CONT), jnp.float32),
        'params': params,
        'cat': jax.random.randint(ks[12], (B, N_CAT), 0, VOCAB),
    }


def _layer_norm(x, g, b):
    mu = jnp.mean(x, axis=-1, keepdims=True)
    var = jnp.var(x, axis=-1, keepdims=True)
    return (x - mu) / jnp.sqrt(var + 1e-5) * g + b


def _forward(cont, params, cat):
    b = cont.shape[0]
    # featurizer: per-column categorical embedding lookup + concat + linear projection
    cat_e = params['emb'][jnp.arange(N_CAT)[None, :], cat]  # [B, N_CAT, EMB]
    x = jnp.concatenate([cont, cat_e.reshape(b, N_CAT * EMB)], axis=-1)
    z = x @ params['Wp'] + params['bp']  # [B, D_MODEL]
    z = z[:, None, :]  # [B, 1, D_MODEL]
    aux = []
    for l in range(N_LAYERS):
        # multi-head self-attention over seq len 1
        q = (z @ params['Wq'][l]).reshape(b, 1, N_HEADS, HEAD_DIM).transpose(0, 2, 1, 3)
        k = (z @ params['Wk'][l]).reshape(b, 1, N_HEADS, HEAD_DIM).transpose(0, 2, 1, 3)
        v = (z @ params['Wv'][l]).reshape(b, 1, N_HEADS, HEAD_DIM).transpose(0, 2, 1, 3)
        scores = jnp.einsum('bhqd,bhkd->bhqk', q, k) / np.sqrt(HEAD_DIM)
        attn_w = jax.nn.softmax(scores, axis=-1)
        attn = jnp.einsum('bhqk,bhkd->bhqd', attn_w, v).transpose(0, 2, 1, 3).reshape(b, 1, D_MODEL)
        attn = attn @ params['Wo'][l]
        z = _layer_norm(z + attn, params['ln1_g'][l], params['ln1_b'][l])
        # switch/top-k MoE FFN
        t = z.reshape(-1, D_MODEL)
        rl = t @ params['Wr'][l]  # [T, E]
        probs = jax.nn.softmax(rl, axis=-1)
        vals, idx = jax.lax.top_k(probs, TOP_K)
        gates = vals / (jnp.sum(vals, axis=-1, keepdims=True) + 1e-9)
        combine = jnp.zeros((t.shape[0], N_EXPERTS), jnp.float32).at[jnp.arange(t.shape[0])[:, None], idx].set(gates)
        h = jax.nn.gelu(jnp.einsum('td,edf->tef', t, params['W1'][l]) + params['b1'][l][None])
        y = jnp.einsum('tef,efd->ted', h, params['W2'][l]) + params['b2'][l][None]
        moe_out = jnp.einsum('ted,te->td', y, combine)
        me = jnp.mean(probs, axis=0)
        ce = jnp.mean((combine > 0).astype(jnp.float32), axis=0)
        aux.append(N_EXPERTS * jnp.sum(me * ce))
        z = _layer_norm(z + moe_out.reshape(z.shape), params['ln2_g'][l], params['ln2_b'][l])
    z = z[:, 0, :]
    hcls = jax.nn.gelu(z @ params['Wc1'] + params['bc1'])
    logits = hcls @ params['Wc2'] + params['bc2']
    return logits, jnp.stack(aux)


def reference(cont, params, cat):
    logits, routing_aux = _forward(cont, params, cat)
    return (logits, routing_aux)

if __name__ == "__main__":
    import jax
    _d = setup_inputs()
    print(jax.jit(kernel)(*tuple(_d.values())))

</pallas_src>

<mosaic_0001>
#map = affine_map<(d0, d1) -> (0, 0)>
#map1 = affine_map<(d0, d1) -> (0)>
module attributes {stable_mosaic.version = 14 : i64} {
  func.func @gather(%arg0: i32, %arg1: i32, %arg2: memref<26000x16xf32, #tpu.memory_space<hbm>>, %arg3: memref<106496xi32, #tpu.memory_space<hbm>>, %arg4: memref<106496x16xf32, #tpu.memory_space<hbm>>, %arg5: memref<3328xi32, #tpu.memory_space<vmem>>, %arg6: memref<3328x16xf32, #tpu.memory_space<vmem>>, %arg7: memref<!tpu.dma_semaphore, #tpu.memory_space<semaphore_mem>>) attributes {dimension_semantics = [#tpu.dimension_semantics<core_parallel>, #tpu.dimension_semantics<subcore_parallel>], iteration_bounds = array<i64: 2, 16>, scalar_prefetch = 0 : i64, scratch_operands = 3 : i64, tpu.core_type = #tpu.core_type<sc_vector_subcore>, window_params = [{transform_indices = #map}, {transform_indices = #map1}, {transform_indices = #map}]} {
    %mul3A = arith.constant 2 : i32
    %mul3A_0 = arith.muli %arg1, %mul3A : i32
    %add3A = arith.addi %mul3A_0, %arg0 : i32
    %mul3A_1 = arith.constant 3328 : i32
    %mul3A_2 = arith.muli %add3A, %mul3A_1 : i32
    "tpu.region"() ({
      %run_scoped3A = tpu.sem_alloc : memref<!tpu.dma_semaphore, #tpu.memory_space<semaphore_mem>>
      %dma_start3A_12 = tpu.memref_slice %arg3[%mul3A_2] : memref<106496xi32, #tpu.memory_space<hbm>> -> memref<3328xi32, #tpu.memory_space<hbm>>
      %dma_start3A_13 = tpu.memref_slice %arg3[%mul3A_2] : memref<106496xi32, #tpu.memory_space<hbm>> -> memref<3328xi32, #tpu.memory_space<hbm>>
      tpu.enqueue_dma source(%dma_start3A_13 : memref<3328xi32, #tpu.memory_space<hbm>>) target(%arg5 : memref<3328xi32, #tpu.memory_space<vmem>>) target_semaphore(%run_scoped3A : memref<!tpu.dma_semaphore, #tpu.memory_space<semaphore_mem>>)
      %dma_wait3A_14 = tpu.memref_slice %arg3[%mul3A_2] : memref<106496xi32, #tpu.memory_space<hbm>> -> memref<3328xi32, #tpu.memory_space<hbm>>
      %dma_wait3A_15 = tpu.memref_slice %arg3[%mul3A_2] : memref<106496xi32, #tpu.memory_space<hbm>> -> memref<3328xi32, #tpu.memory_space<hbm>>
      tpu.wait_dma2 semaphore(%run_scoped3A : memref<!tpu.dma_semaphore, #tpu.memory_space<semaphore_mem>>) src(%dma_wait3A_15 : memref<3328xi32, #tpu.memory_space<hbm>>) dst(%arg5 : memref<3328xi32, #tpu.memory_space<vmem>>)
      tpu.yield
    }) : () -> ()
    %iota3A = tpu.iota {dimensions = array<i32: 0>} : vector<16xi32>
    %scan3A = arith.constant 0 : i32
    %scan3A_3 = arith.constant 0 : i32
    %scan3A_4 = arith.constant 208 : i32
    %scan3A_5 = arith.addi %scan3A_3, %scan3A_4 : i32
    %scan3A_6 = arith.constant 1 : i32
    scf.for %scan3A_12 = %scan3A_3 to %scan3A_5 step %scan3A_6  : i32 {
      %mul3A_13 = arith.constant 16 : i32
      %mul3A_14 = arith.muli %scan3A_12, %mul3A_13 : i32
      %jit3A = arith.constant 26 : i32
      %eq3A = arith.constant 0 : i32
      %eq3A_15 = arith.cmpi eq, %jit3A, %eq3A : i32
      %jit3A_16 = arith.constant 1 : i32
      %select_n3A = arith.select %eq3A_15, %jit3A_16, %jit3A : i32
      %rem3A = arith.remsi %mul3A_14, %select_n3A : i32
      %ne3A = arith.constant 0 : i32
      %ne3A_17 = arith.cmpi ne, %rem3A, %ne3A : i32
      %lt3A = arith.constant 0 : i32
      %lt3A_18 = arith.cmpi slt, %rem3A, %lt3A : i32
      %lt3A_19 = arith.constant 0 : i32
      %lt3A_20 = arith.cmpi slt, %select_n3A, %lt3A_19 : i32
      %ne3A_21 = arith.xori %lt3A_18, %lt3A_20 : i1
      %and3A = arith.andi %ne3A_21, %ne3A_17 : i1
      %add3A_22 = arith.addi %rem3A, %select_n3A : i32
      %select_n3A_23 = arith.select %and3A, %add3A_22, %rem3A : i32
      %add3A_24 = vector.broadcast %select_n3A_23 : i32 to vector<16xi32>
      %add3A_25 = arith.addi %add3A_24, %iota3A : vector<16xi32>
      %ge3A = arith.constant 26 : i32
      %ge3A_26 = vector.broadcast %ge3A : i32 to vector<16xi32>
      %ge3A_27 = arith.cmpi sge, %add3A_25, %ge3A_26 : vector<16xi32>
      %sub3A = arith.constant 26 : i32
      %sub3A_28 = vector.broadcast %sub3A : i32 to vector<16xi32>
      %sub3A_29 = arith.subi %add3A_25, %sub3A_28 : vector<16xi32>
      %select_n3A_30 = arith.select %ge3A_27, %sub3A_29, %add3A_25 : vector<16xi1>, vector<16xi32>
      %mul3A_31 = arith.constant 16 : i32
      %mul3A_32 = arith.muli %scan3A_12, %mul3A_31 : i32
      %get3A = arith.index_cast %mul3A_32 : i32 to index
      %get3A_33 = tpu.vector_load %arg5[%get3A] {strides = array<i32>} : memref<3328xi32, #tpu.memory_space<vmem>>, vector<16xi32>,
      %get3A_34 = vector.shape_cast %get3A_33 : vector<16xi32> to vector<16xi32>
      %mul3A_35 = arith.constant 1000 : i32
      %mul3A_36 = vector.broadcast %mul3A_35 : i32 to vector<16xi32>
      %mul3A_37 = arith.muli %select_n3A_30, %mul3A_36 : vector<16xi32>
      %add3A_38 = arith.addi %get3A_34, %mul3A_37 : vector<16xi32>
      %swap3A = arith.index_cast %mul3A_32 : i32 to index
      %swap3A_39 = tpu.vector_load %arg5[%swap3A] {strides = array<i32>} : memref<3328xi32, #tpu.memory_space<vmem>>, vector<16xi32>,
      %swap3A_40 = vector.shape_cast %swap3A_39 : vector<16xi32> to vector<16xi32>
      %swap3A_41 = vector.shape_cast %add3A_38 : vector<16xi32> to vector<16xi32>
      tpu.vector_store %arg5[%swap3A], %swap3A_41 {strides = array<i32>} : memref<3328xi32, #tpu.memory_space<vmem>>, vector<16xi32>,
    }
    %scan3A_7 = arith.constant 208 : i32
    %dma_start3A = arith.constant 0 : i32
    %dma_start3A_8 = arith.constant 0 : i32
    %dma_start3A_9 = tpu.memref_slice %arg2[%dma_start3A, %dma_start3A_8] : memref<26000x16xf32, #tpu.memory_space<hbm>> -> memref<26000x16xf32, #tpu.memory_space<hbm>>
    tpu.enqueue_indirect_dma source(%dma_start3A_9 : memref<26000x16xf32, #tpu.memory_space<hbm>>) target(%arg6 : memref<3328x16xf32, #tpu.memory_space<vmem>>) offsets(%arg5 : memref<3328xi32, #tpu.memory_space<vmem>>) semaphore(%arg7 : memref<!tpu.dma_semaphore, #tpu.memory_space<semaphore_mem>>)
    %dma_wait3A = arith.constant 0 : i32
    %dma_wait3A_10 = arith.constant 0 : i32
    %dma_wait3A_11 = tpu.memref_slice %arg2[%dma_wait3A, %dma_wait3A_10] : memref<26000x16xf32, #tpu.memory_space<hbm>> -> memref<26000x16xf32, #tpu.memory_space<hbm>>
    tpu.wait_indirect_dma semaphore(%arg7 : memref<!tpu.dma_semaphore, #tpu.memory_space<semaphore_mem>>) src(%dma_wait3A_11 : memref<26000x16xf32, #tpu.memory_space<hbm>>) dst(%arg6 : memref<3328x16xf32, #tpu.memory_space<vmem>>)
    "tpu.region"() ({
      %run_scoped3A = tpu.sem_alloc : memref<!tpu.dma_semaphore, #tpu.memory_space<semaphore_mem>>
      %dma_start3A_12 = arith.constant 0 : i32
      %dma_start3A_13 = tpu.memref_slice %arg4[%mul3A_2, %dma_start3A_12] : memref<106496x16xf32, #tpu.memory_space<hbm>> -> memref<3328x16xf32, #tpu.memory_space<hbm>>
      %dma_start3A_14 = arith.constant 0 : i32
      %dma_start3A_15 = tpu.memref_slice %arg4[%mul3A_2, %dma_start3A_14] : memref<106496x16xf32, #tpu.memory_space<hbm>> -> memref<3328x16xf32, #tpu.memory_space<hbm>>
      tpu.enqueue_dma source(%arg6 : memref<3328x16xf32, #tpu.memory_space<vmem>>) target(%dma_start3A_15 : memref<3328x16xf32, #tpu.memory_space<hbm>>) target_semaphore(%run_scoped3A : memref<!tpu.dma_semaphore, #tpu.memory_space<semaphore_mem>>)
      %dma_wait3A_16 = arith.constant 0 : i32
      %dma_wait3A_17 = tpu.memref_slice %arg4[%mul3A_2, %dma_wait3A_16] : memref<106496x16xf32, #tpu.memory_space<hbm>> -> memref<3328x16xf32, #tpu.memory_space<hbm>>
      %dma_wait3A_18 = arith.constant 0 : i32
      %dma_wait3A_19 = tpu.memref_slice %arg4[%mul3A_2, %dma_wait3A_18] : memref<106496x16xf32, #tpu.memory_space<hbm>> -> memref<3328x16xf32, #tpu.memory_space<hbm>>
      tpu.wait_dma2 semaphore(%run_scoped3A : memref<!tpu.dma_semaphore, #tpu.memory_space<semaphore_mem>>) src(%arg6 : memref<3328x16xf32, #tpu.memory_space<vmem>>) dst(%dma_wait3A_19 : memref<3328x16xf32, #tpu.memory_space<hbm>>)
      tpu.yield
    }) : () -> ()
    return
  }
}

module attributes {stable_mosaic.version = 14 : i64} {
  func.func @_net_body(%arg0: i32, %arg1: memref<2048x13xf32, #tpu.memory_space<vmem>>, %arg2: memref<2048x416xf32, #tpu.memory_space<vmem>>, %arg3: memref<429x128xf32, #tpu.memory_space<vmem>>, %arg4: memref<1x128xf32, #tpu.memory_space<vmem>>, %arg5: memref<2x128x128xf32, #tpu.memory_space<vmem>>, %arg6: memref<2x128x128xf32, #tpu.memory_space<vmem>>, %arg7: memref<2x1x128xf32, #tpu.memory_space<vmem>>, %arg8: memref<2x1x128xf32, #tpu.memory_space<vmem>>, %arg9: memref<2x1x128xf32, #tpu.memory_space<vmem>>, %arg10: memref<2x1x128xf32, #tpu.memory_space<vmem>>, %arg11: memref<2x128x8xf32, #tpu.memory_space<vmem>>, %arg12: memref<2x8x128x256xf32, #tpu.memory_space<vmem>>, %arg13: memref<2x8x1x256xf32, #tpu.memory_space<vmem>>, %arg14: memref<2x8x256x128xf32, #tpu.memory_space<vmem>>, %arg15: memref<2x8x1x128xf32, #tpu.memory_space<vmem>>, %arg16: memref<128x256xf32, #tpu.memory_space<vmem>>, %arg17: memref<1x256xf32, #tpu.memory_space<vmem>>, %arg18: memref<256x2xf32, #tpu.memory_space<vmem>>, %arg19: memref<1x2xf32, #tpu.memory_space<vmem>>, %arg20: memref<2048x2xf32, #tpu.memory_space<vmem>>, %arg21: memref<1x2xf32, #tpu.memory_space<vmem>>, %arg22: memref<4x8xf32, #tpu.memory_space<vmem>>) attributes {dimension_semantics = [#tpu.dimension_semantics<arbitrary>], iteration_bounds = array<i64: 2>, scalar_prefetch = 0 : i64, scratch_operands = 1 : i64, tpu.core_type = #tpu.core_type<tc>, window_params = [{transform_indices = @transform_0, window_bounds = array<i64: 2048, 13>}, {transform_indices = @transform_1, window_bounds = array<i64: 2048, 416>}, {pipeline_mode = #tpu.pipeline_mode<synchronous>, transform_indices = @transform_2, window_bounds = array<i64: 429, 128>}, {pipeline_mode = #tpu.pipeline_mode<synchronous>, transform_indices = @transform_3, window_bounds = array<i64: 1, 128>}, {pipeline_mode = #tpu.pipeline_mode<synchronous>, transform_indices = @transform_4, window_bounds = array<i64: 2, 128, 128>}, {pipeline_mode = #tpu.pipeline_mode<synchronous>, transform_indices = @transform_5, window_bounds = array<i64: 2, 128, 128>}, {pipeline_mode = #tpu.pipeline_mode<synchronous>, transform_indices = @transform_6, window_bounds = array<i64: 2, 1, 128>}, {pipeline_mode = #tpu.pipeline_mode<synchronous>, transform_indices = @transform_7, window_bounds = array<i64: 2, 1, 128>}, {pipeline_mode = #tpu.pipeline_mode<synchronous>, transform_indices = @transform_8, window_bounds = array<i64: 2, 1, 128>}, {pipeline_mode = #tpu.pipeline_mode<synchronous>, transform_indices = @transform_9, window_bounds = array<i64: 2, 1, 128>}, {pipeline_mode = #tpu.pipeline_mode<synchronous>, transform_indices = @transform_10, window_bounds = array<i64: 2, 128, 8>}, {pipeline_mode = #tpu.pipeline_mode<synchronous>, transform_indices = @transform_11, window_bounds = array<i64: 2, 8, 128, 256>}, {pipeline_mode = #tpu.pipeline_mode<synchronous>, transform_indices = @transform_12, window_bounds = array<i64: 2, 8, 1, 256>}, {pipeline_mode = #tpu.pipeline_mode<synchronous>, transform_indices = @transform_13, window_bounds = array<i64: 2, 8, 256, 128>}, {pipeline_mode = #tpu.pipeline_mode<synchronous>, transform_indices = @transform_14, window_bounds = array<i64: 2, 8, 1, 128>}, {pipeline_mode = #tpu.pipeline_mode<synchronous>, transform_indices = @transform_15, window_bounds = array<i64: 128, 256>}, {pipeline_mode = #tpu.pipeline_mode<synchronous>, transform_indices = @transform_16, window_bounds = array<i64: 1, 256>}, {pipeline_mode = #tpu.pipeline_mode<synchronous>, transform_indices = @transform_17, window_bounds = array<i64: 256, 2>}, {pipeline_mode = #tpu.pipeline_mode<synchronous>, transform_indices = @transform_18, window_bounds = array<i64: 1, 2>}, {transform_indices = @transform_19, window_bounds = array<i64: 2048, 2>}, {pipeline_mode = #tpu.pipeline_mode<synchronous>, transform_indices = @transform_20, window_bounds = array<i64: 1, 2>}]} {
    %eq3A = arith.constant 0 : i32
    %eq3A_0 = arith.cmpi eq, %arg0, %eq3A : i32
    %convert_element_type3A = arith.extui %eq3A_0 : i1 to i32
    %cond3A = arith.constant 0 : i32
    %cond3A_1 = arith.cmpi ne, %convert_element_type3A, %cond3A : i32
    scf.if %cond3A_1 {
      %broadcast_in_dim3A_1315 = arith.constant 0.000000e+00 : f32
      %broadcast_in_dim3A_1316 = vector.broadcast %broadcast_in_dim3A_1315 : f32 to vector<4x8xf32>
      %swap3A_1317 = arith.constant 0 : index
      %swap3A_1318 = arith.constant 0 : index
      %swap3A_1319 = vector.load %arg22[%swap3A_1317, %swap3A_1318] : memref<4x8xf32, #tpu.memory_space<vmem>>, vector<4x8xf32>
      tpu.vector_store %arg22[%swap3A_1317, %swap3A_1318], %broadcast_in_dim3A_1316 {strides = array<i32>} : memref<4x8xf32, #tpu.memory_space<vmem>>, vector<4x8xf32>,
    } else {
    }
    %get3A = arith.constant 0 : index
    %get3A_2 = arith.constant 0 : index
    %get3A_3 = vector.load %arg1[%get3A, %get3A_2] : memref<2048x13xf32, #tpu.memory_space<vmem>>, vector<2048x13xf32>
    %get3A_4 = arith.constant 0 : index
    %get3A_5 = arith.constant 0 : index
    %get3A_6 = vector.load %arg2[%get3A_4, %get3A_5] : memref<2048x416xf32, #tpu.memory_space<vmem>>, vector<2048x416xf32>
    %concatenate3A = tpu.concatenate %get3A_3, %get3A_6 in 1 : vector<2048x13xf32>, vector<2048x416xf32> -> vector<2048x429xf32>
    %get3A_7 = arith.constant 0 : index
    %get3A_8 = arith.constant 0 : index
    %get3A_9 = vector.load %arg3[%get3A_7, %get3A_8] : memref<429x128xf32, #tpu.memory_space<vmem>>, vector<429x128xf32>
    %dot_general3A = arith.constant dense<0.000000e+00> : vector<2048x128xf32>
    %dot_general3A_10 = tpu.matmul %concatenate3A, %get3A_9, %dot_general3A {dimension_numbers = #tpu.dot_dimension_numbers<[1], [0], [0], [1], [0, 0, 1, 1], [], []>, transpose_lhs_hint = false} : vector<2048x429xf32>, vector<429x128xf32>, vector<2048x128xf32> -> vector<2048x128xf32>
    %get3A_11 = arith.constant 0 : index
    %get3A_12 = arith.constant 0 : index
    %get3A_13 = vector.load %arg4[%get3A_11, %get3A_12] : memref<1x128xf32, #tpu.memory_space<vmem>>, vector<1x128xf32>
    %add3A = vector.broadcast %get3A_13 : vector<1x128xf32> to vector<2048x128xf32>
    %add3A_14 = arith.addf %dot_general3A_10, %add3A : vector<2048x128xf32>
    %get3A_15 = arith.constant 0 : index
    %get3A_16 = arith.constant 0 : index
    %get3A_17 = arith.constant 0 : index
    %get3A_18 = vector.load %arg5[%get3A_15, %get3A_16, %get3A_17] : memref<2x128x128xf32, #tpu.memory_space<vmem>>, vector<1x128x128xf32>
    %get3A_19 = vector.shape_cast %get3A_18 : vector<1x128x128xf32> to vector<128x128xf32>
    %dot_general3A_20 = arith.constant dense<0.000000e+00> : vector<2048x128xf32>
    %dot_general3A_21 = tpu.matmul %add3A_14, %get3A_19, %dot_general3A_20 {dimension_numbers = #tpu.dot_dimension_numbers<[1], [0], [0], [1], [0, 0, 1, 1], [], []>, transpose_lhs_hint = false} : vector<2048x128xf32>, vector<128x128xf32>, vector<2048x128xf32> -> vector<2048x128xf32>
    %get3A_22 = arith.constant 0 : index
    %get3A_23 = arith.constant 0 : index
    %get3A_24 = arith.constant 0 : index
    %get3A_25 = vector.load %arg6[%get3A_22, %get3A_23, %get3A_24] : memref<2x128x128xf32, #tpu.memory_space<vmem>>, vector<1x128x128xf32>
    %get3A_26 = vector.shape_cast %get3A_25 : vector<1x128x128xf32> to vector<128x128xf32>
    %dot_general3A_27 = arith.constant dense<0.000000e+00> : vector<2048x128xf32>
    %dot_general3A_28 = tpu.matmul %dot_general3A_21, %get3A_26, %dot_general3A_27 {dimension_numbers = #tpu.dot_dimension_numbers<[1], [0], [0], [1], [0, 0, 1, 1], [], []>, transpose_lhs_hint = false} : vector<2048x128xf32>, vector<128x128xf32>, vector<2048x128xf32> -> vector<2048x128xf32>
    %add3A_29 = arith.addf %add3A_14, %dot_general3A_28 : vector<2048x128xf32>
    %get3A_30 = arith.constant 0 : index
    %get3A_31 = arith.constant 0 : index
    %get3A_32 = arith.constant 0 : index
    %get3A_33 = vector.load %arg7[%get3A_30, %get3A_31, %get3A_32] : memref<2x1x128xf32, #tpu.memory_space<vmem>>, vector<1x1x128xf32>
    %get3A_34 = vector.shape_cast %get3A_33 : vector<1x1x128xf32> to vector<1x128xf32>
    %get3A_35 = arith.constant 0 : index
    %get3A_36 = arith.constant 0 : index
    %get3A_37 = arith.constant 0 : index
    %get3A_38 = vector.load %arg8[%get3A_35, %get3A_36, %get3A_37] : memref<2x1x128xf32, #tpu.memory_space<vmem>>, vector<1x1x128xf32>
    %get3A_39 = vector.shape_cast %get3A_38 : vector<1x1x128xf32> to vector<1x128xf32>
    %reduce_sum3A = arith.constant dense<0.000000e+00> : vector<2048xf32>
    %reduce_sum3A_40 = vector.multi_reduction <add>, %add3A_29, %reduce_sum3A [1] : vector<2048x128xf32> to vector<2048xf32>
    %broadcast_in_dim3A = vector.shape_cast %reduce_sum3A_40 : vector<2048xf32> to vector<2048x1xf32>
    %div3A = arith.constant 1.280000e+02 : f32
    %div3A_41 = vector.broadcast %div3A : f32 to vector<2048x1xf32>
    %div3A_42 = arith.divf %broadcast_in_dim3A, %div3A_41 : vector<2048x1xf32>
    %jit3A = arith.constant 0 : i32
    %reduce_sum3A_43 = arith.constant dense<0.000000e+00> : vector<2048xf32>
    %reduce_sum3A_44 = vector.multi_reduction <add>, %add3A_29, %reduce_sum3A_43 [1] : vector<2048x128xf32> to vector<2048xf32>
    %broadcast_in_dim3A_45 = vector.shape_cast %reduce_sum3A_44 : vector<2048xf32> to vector<2048x1xf32>
    %div3A_46 = arith.constant 1.280000e+02 : f32
    %div3A_47 = vector.broadcast %div3A_46 : f32 to vector<2048x1xf32>
    %div3A_48 = arith.divf %broadcast_in_dim3A_45, %div3A_47 : vector<2048x1xf32>
    %sub3A = vector.broadcast %div3A_48 : vector<2048x1xf32> to vector<2048x128xf32>
    %sub3A_49 = arith.subf %add3A_29, %sub3A : vector<2048x128xf32>
    %square3A = arith.mulf %sub3A_49, %sub3A_49 : vector<2048x128xf32>
    %convert_element_type3A_50 = arith.sitofp %jit3A : i32 to f32
    %sub3A_51 = arith.constant 1.280000e+02 : f32
    %sub3A_52 = arith.subf %sub3A_51, %convert_element_type3A_50 : f32
    %reduce_sum3A_53 = arith.constant dense<0.000000e+00> : vector<2048xf32>
    %reduce_sum3A_54 = vector.multi_reduction <add>, %square3A, %reduce_sum3A_53 [1] : vector<2048x128xf32> to vector<2048xf32>
    %broadcast_in_dim3A_55 = vector.shape_cast %reduce_sum3A_54 : vector<2048xf32> to vector<2048x1xf32>
    %div3A_56 = vector.broadcast %sub3A_52 : f32 to vector<2048x1xf32>
    %div3A_57 = arith.divf %broadcast_in_dim3A_55, %div3A_56 : vector<2048x1xf32>
    %gt3A = arith.constant 0.000000e+00 : f32
    %gt3A_58 = arith.cmpf ogt, %sub3A_52, %gt3A : f32
    %jit3A_59 = arith.constant 0x7FC00000 : f32
    %broadcast_in_dim3A_60 = vector.broadcast %jit3A_59 : f32 to vector<2048x1xf32>
    %select_n3A = arith.select %gt3A_58, %div3A_57, %broadcast_in_dim3A_60 : vector<2048x1xf32>
    %sub3A_61 = vector.broadcast %div3A_42 : vector<2048x1xf32> to vector<2048x128xf32>
    %sub3A_62 = arith.subf %add3A_29, %sub3A_61 : vector<2048x128xf32>
    %add3A_63 = arith.constant 9.99999974E-6 : f32
    %add3A_64 = vector.broadcast %add3A_63 : f32 to vector<2048x1xf32>
    %add3A_65 = arith.addf %select_n3A, %add3A_64 : vector<2048x1xf32>
    %sqrt3A = math.sqrt %add3A_65 : vector<2048x1xf32>
    %div3A_66 = vector.broadcast %sqrt3A : vector<2048x1xf32> to vector<2048x128xf32>
    %div3A_67 = arith.divf %sub3A_62, %div3A_66 : vector<2048x128xf32>
    %mul3A = vector.broadcast %get3A_34 : vector<1x128xf32> to vector<2048x128xf32>
    %mul3A_68 = arith.mulf %div3A_67, %mul3A : vector<2048x128xf32>
    %add3A_69 = vector.broadcast %get3A_39 : vector<1x128xf32> to vector<2048x128xf32>
    %add3A_70 = arith.addf %mul3A_68, %add3A_69 : vector<2048x128xf32>
    %get3A_71 = arith.constant 0 : index
    %get3A_72 = arith.constant 0 : index
    %get3A_73 = arith.constant 0 : index
    %get3A_74 = vector.load %arg11[%get3A_71, %get3A_72, %get3A_73] : memref<2x128x8xf32, #tpu.memory_space<vmem>>, vector<1x128x8xf32>
    %get3A_75 = vector.shape_cast %get3A_74 : vector<1x128x8xf32> to vector<128x8xf32>
    %dot_general3A_76 = arith.constant dense<0.000000e+00> : vector<2048x8xf32>
    %dot_general3A_77 = tpu.matmul %add3A_70, %get3A_75, %dot_general3A_76 {dimension_numbers = #tpu.dot_dimension_numbers<[1], [0], [0], [1], [0, 0, 1, 1], [], []>, transpose_lhs_hint = false} : vector<2048x128xf32>, vector<128x8xf32>, vector<2048x8xf32> -> vector<2048x8xf32>
    %reduce_max3A = arith.constant dense<0xFF800000> : vector<2048xf32>
    %reduce_max3A_78 = vector.multi_reduction <maximumf>, %dot_general3A_77, %reduce_max3A [1] : vector<2048x8xf32> to vector<2048xf32>
    %max3A = arith.constant 0xFF800000 : f32
    %max3A_79 = vector.broadcast %max3A : f32 to vector<2048xf32>
    %max3A_80 = arith.maximumf %max3A_79, %reduce_max3A_78 : vector<2048xf32>
    %broadcast_in_dim3A_81 = vector.shape_cast %max3A_80 : vector<2048xf32> to vector<2048x1xf32>
    %sub3A_82 = vector.broadcast %broadcast_in_dim3A_81 : vector<2048x1xf32> to vector<2048x8xf32>
    %sub3A_83 = arith.subf %dot_general3A_77, %sub3A_82 : vector<2048x8xf32>
    %exp3A = math.exp %sub3A_83 : vector<2048x8xf32>
    %reduce_sum3A_84 = arith.constant dense<0.000000e+00> : vector<2048xf32>
    %reduce_sum3A_85 = vector.multi_reduction <add>, %exp3A, %reduce_sum3A_84 [1] : vector<2048x8xf32> to vector<2048xf32>
    %broadcast_in_dim3A_86 = vector.shape_cast %reduce_sum3A_85 : vector<2048xf32> to vector<2048x1xf32>
    %div3A_87 = vector.broadcast %broadcast_in_dim3A_86 : vector<2048x1xf32> to vector<2048x8xf32>
    %div3A_88 = arith.divf %exp3A, %div3A_87 : vector<2048x8xf32>
    %iota3A = tpu.iota {dimensions = array<i32: 1>} : vector<2048x8xi32>
    %reduce_max3A_89 = arith.constant dense<0xFF800000> : vector<2048xf32>
    %reduce_max3A_90 = vector.multi_reduction <maximumf>, %div3A_88, %reduce_max3A_89 [1] : vector<2048x8xf32> to vector<2048xf32>
    %broadcast_in_dim3A_91 = vector.shape_cast %reduce_max3A_90 : vector<2048xf32> to vector<2048x1xf32>
    %eq3A_92 = vector.broadcast %broadcast_in_dim3A_91 : vector<2048x1xf32> to vector<2048x8xf32>
    %eq3A_93 = arith.cmpf oeq, %div3A_88, %eq3A_92 : vector<2048x8xf32>
    %jit3A_94 = arith.constant 8 : i32
    %broadcast_in_dim3A_95 = vector.broadcast %jit3A_94 : i32 to vector<2048x8xi32>
    %select_n3A_96 = arith.select %eq3A_93, %iota3A, %broadcast_in_dim3A_95 : vector<2048x8xi1>, vector<2048x8xi32>
    %reduce_min3A = arith.constant dense<2147483647> : vector<2048xi32>
    %reduce_min3A_97 = vector.multi_reduction <minsi>, %select_n3A_96, %reduce_min3A [1] : vector<2048x8xi32> to vector<2048xi32>
    %broadcast_in_dim3A_98 = vector.shape_cast %reduce_min3A_97 : vector<2048xi32> to vector<2048x1xi32>
    %eq3A_99 = vector.broadcast %broadcast_in_dim3A_98 : vector<2048x1xi32> to vector<2048x8xi32>
    %eq3A_100 = arith.cmpi eq, %iota3A, %eq3A_99 : vector<2048x8xi32>
    %jit3A_101 = arith.constant -1.000000e+00 : f32
    %broadcast_in_dim3A_102 = vector.broadcast %jit3A_101 : f32 to vector<2048x8xf32>
    %select_n3A_103 = arith.select %eq3A_100, %broadcast_in_dim3A_102, %div3A_88 : vector<2048x8xi1>, vector<2048x8xf32>
    %reduce_max3A_104 = arith.constant dense<0xFF800000> : vector<2048xf32>
    %reduce_max3A_105 = vector.multi_reduction <maximumf>, %select_n3A_103, %reduce_max3A_104 [1] : vector<2048x8xf32> to vector<2048xf32>
    %broadcast_in_dim3A_106 = vector.shape_cast %reduce_max3A_105 : vector<2048xf32> to vector<2048x1xf32>
    %eq3A_107 = vector.broadcast %broadcast_in_dim3A_106 : vector<2048x1xf32> to vector<2048x8xf32>
    %eq3A_108 = arith.cmpf oeq, %select_n3A_103, %eq3A_107 : vector<2048x8xf32>
    %jit3A_109 = arith.constant 8 : i32
    %broadcast_in_dim3A_110 = vector.broadcast %jit3A_109 : i32 to vector<2048x8xi32>
    %select_n3A_111 = arith.select %eq3A_108, %iota3A, %broadcast_in_dim3A_110 : vector<2048x8xi1>, vector<2048x8xi32>
    %reduce_min3A_112 = arith.constant dense<2147483647> : vector<2048xi32>
    %reduce_min3A_113 = vector.multi_reduction <minsi>, %select_n3A_111, %reduce_min3A_112 [1] : vector<2048x8xi32> to vector<2048xi32>
    %broadcast_in_dim3A_114 = vector.shape_cast %reduce_min3A_113 : vector<2048xi32> to vector<2048x1xi32>
    %eq3A_115 = vector.broadcast %broadcast_in_dim3A_114 : vector<2048x1xi32> to vector<2048x8xi32>
    %eq3A_116 = arith.cmpi eq, %iota3A, %eq3A_115 : vector<2048x8xi32>
    %add3A_117 = arith.addf %broadcast_in_dim3A_91, %broadcast_in_dim3A_106 : vector<2048x1xf32>
    %add3A_118 = arith.constant 9.99999971E-10 : f32
    %add3A_119 = vector.broadcast %add3A_118 : f32 to vector<2048x1xf32>
    %add3A_120 = arith.addf %add3A_117, %add3A_119 : vector<2048x1xf32>
    %div3A_121 = arith.divf %broadcast_in_dim3A_91, %add3A_120 : vector<2048x1xf32>
    %jit3A_122 = arith.constant 0.000000e+00 : f32
    %broadcast_in_dim3A_123 = vector.shape_cast %div3A_121 : vector<2048x1xf32> to vector<2048x1xf32>
    %broadcast_in_dim3A_124 = vector.broadcast %broadcast_in_dim3A_123 : vector<2048x1xf32> to vector<2048x8xf32>
    %broadcast_in_dim3A_125 = vector.broadcast %jit3A_122 : f32 to vector<2048x8xf32>
    %select_n3A_126 = arith.select %eq3A_100, %broadcast_in_dim3A_124, %broadcast_in_dim3A_125 : vector<2048x8xi1>, vector<2048x8xf32>
    %div3A_127 = arith.divf %broadcast_in_dim3A_106, %add3A_120 : vector<2048x1xf32>
    %jit3A_128 = arith.constant 0.000000e+00 : f32
    %broadcast_in_dim3A_129 = vector.shape_cast %div3A_127 : vector<2048x1xf32> to vector<2048x1xf32>
    %broadcast_in_dim3A_130 = vector.broadcast %broadcast_in_dim3A_129 : vector<2048x1xf32> to vector<2048x8xf32>
    %broadcast_in_dim3A_131 = vector.broadcast %jit3A_128 : f32 to vector<2048x8xf32>
    %select_n3A_132 = arith.select %eq3A_116, %broadcast_in_dim3A_130, %broadcast_in_dim3A_131 : vector<2048x8xi1>, vector<2048x8xf32>
    %add3A_133 = arith.addf %select_n3A_126, %select_n3A_132 : vector<2048x8xf32>
    %get3A_134 = arith.constant 0 : index
    %get3A_135 = arith.constant 0 : index
    %get3A_136 = vector.load %arg22[%get3A_134, %get3A_135] : memref<4x8xf32, #tpu.memory_space<vmem>>, vector<1x8xf32>
    %reduce_sum3A_137 = arith.constant dense<0.000000e+00> : vector<8xf32>
    %reduce_sum3A_138 = vector.multi_reduction <add>, %div3A_88, %reduce_sum3A_137 [0] : vector<2048x8xf32> to vector<8xf32>
    %broadcast_in_dim3A_139 = vector.shape_cast %reduce_sum3A_138 : vector<8xf32> to vector<1x8xf32>
    %add3A_140 = arith.addf %get3A_136, %broadcast_in_dim3A_139 : vector<1x8xf32>
    %swap3A = arith.constant 0 : index
    %swap3A_141 = arith.constant 0 : index
    %swap3A_142 = vector.load %arg22[%swap3A, %swap3A_141] : memref<4x8xf32, #tpu.memory_space<vmem>>, vector<1x8xf32>
    tpu.vector_store %arg22[%swap3A, %swap3A_141], %add3A_140 {strides = array<i32>} : memref<4x8xf32, #tpu.memory_space<vmem>>, vector<1x8xf32>,
    %get3A_143 = arith.constant 1 : index
    %get3A_144 = arith.constant 0 : index
    %get3A_145 = vector.load %arg22[%get3A_143, %get3A_144] : memref<4x8xf32, #tpu.memory_space<vmem>>, vector<1x8xf32>
    %gt3A_146 = arith.constant 0.000000e+00 : f32
    %gt3A_147 = vector.broadcast %gt3A_146 : f32 to vector<2048x8xf32>
    %gt3A_148 = arith.cmpf ogt, %add3A_133, %gt3A_147 : vector<2048x8xf32>
    %convert_element_type3A_149 = arith.extui %gt3A_148 : vector<2048x8xi1> to vector<2048x8xi32>
    %convert_element_type3A_150 = arith.sitofp %convert_element_type3A_149 : vector<2048x8xi32> to vector<2048x8xf32>
    %reduce_sum3A_151 = arith.constant dense<0.000000e+00> : vector<8xf32>
    %reduce_sum3A_152 = vector.multi_reduction <add>, %convert_element_type3A_150, %reduce_sum3A_151 [0] : vector<2048x8xf32> to vector<8xf32>
    %broadcast_in_dim3A_153 = vector.shape_cast %reduce_sum3A_152 : vector<8xf32> to vector<1x8xf32>
    %add3A_154 = arith.addf %get3A_145, %broadcast_in_dim3A_153 : vector<1x8xf32>
    %swap3A_155 = arith.constant 1 : index
    %swap3A_156 = arith.constant 0 : index
    %swap3A_157 = vector.load %arg22[%swap3A_155, %swap3A_156] : memref<4x8xf32, #tpu.memory_space<vmem>>, vector<1x8xf32>
    tpu.vector_store %arg22[%swap3A_155, %swap3A_156], %add3A_154 {strides = array<i32>} : memref<4x8xf32, #tpu.memory_space<vmem>>, vector<1x8xf32>,
    %broadcast_in_dim3A_158 = arith.constant 0.000000e+00 : f32
    %broadcast_in_dim3A_159 = vector.broadcast %broadcast_in_dim3A_158 : f32 to vector<2048x128xf32>
    %get3A_160 = arith.constant 0 : index
    %get3A_161 = arith.constant 0 : index
    %get3A_162 = arith.constant 0 : index
    %get3A_163 = arith.constant 0 : index
    %get3A_164 = vector.load %arg12[%get3A_160, %get3A_161, %get3A_162, %get3A_163] : memref<2x8x128x256xf32, #tpu.memory_space<vmem>>, vector<1x1x128x256xf32>
    %get3A_165 = vector.shape_cast %get3A_164 : vector<1x1x128x256xf32> to vector<128x256xf32>
    %dot_general3A_166 = arith.constant dense<0.000000e+00> : vector<2048x256xf32>
    %dot_general3A_167 = tpu.matmul %add3A_70, %get3A_165, %dot_general3A_166 {dimension_numbers = #tpu.dot_dimension_numbers<[1], [0], [0], [1], [0, 0, 1, 1], [], []>, transpose_lhs_hint = false} : vector<2048x128xf32>, vector<128x256xf32>, vector<2048x256xf32> -> vector<2048x256xf32>
    %get3A_168 = arith.constant 0 : index
    %get3A_169 = arith.constant 0 : index
    %get3A_170 = arith.constant 0 : index
    %get3A_171 = arith.constant 0 : index
    %get3A_172 = vector.load %arg13[%get3A_168, %get3A_169, %get3A_170, %get3A_171] : memref<2x8x1x256xf32, #tpu.memory_space<vmem>>, vector<1x1x1x256xf32>
    %get3A_173 = vector.shape_cast %get3A_172 : vector<1x1x1x256xf32> to vector<1x256xf32>
    %add3A_174 = vector.broadcast %get3A_173 : vector<1x256xf32> to vector<2048x256xf32>
    %add3A_175 = arith.addf %dot_general3A_167, %add3A_174 : vector<2048x256xf32>
    %integer_pow3A = arith.mulf %add3A_175, %add3A_175 : vector<2048x256xf32>
    %integer_pow3A_176 = arith.mulf %add3A_175, %integer_pow3A : vector<2048x256xf32>
    %mul3A_177 = arith.constant 4.471500e-02 : f32
    %mul3A_178 = vector.broadcast %mul3A_177 : f32 to vector<2048x256xf32>
    %mul3A_179 = arith.mulf %mul3A_178, %integer_pow3A_176 : vector<2048x256xf32>
    %add3A_180 = arith.addf %add3A_175, %mul3A_179 : vector<2048x256xf32>
    %mul3A_181 = arith.constant 0.797884583 : f32
    %mul3A_182 = vector.broadcast %mul3A_181 : f32 to vector<2048x256xf32>
    %mul3A_183 = arith.mulf %mul3A_182, %add3A_180 : vector<2048x256xf32>
    %tanh3A = math.tanh %mul3A_183 : vector<2048x256xf32>
    %add3A_184 = arith.constant 1.000000e+00 : f32
    %add3A_185 = vector.broadcast %add3A_184 : f32 to vector<2048x256xf32>
    %add3A_186 = arith.addf %add3A_185, %tanh3A : vector<2048x256xf32>
    %mul3A_187 = arith.constant 5.000000e-01 : f32
    %mul3A_188 = vector.broadcast %mul3A_187 : f32 to vector<2048x256xf32>
    %mul3A_189 = arith.mulf %mul3A_188, %add3A_186 : vector<2048x256xf32>
    %mul3A_190 = arith.mulf %add3A_175, %mul3A_189 : vector<2048x256xf32>
    %get3A_191 = arith.constant 0 : index
    %get3A_192 = arith.constant 0 : index
    %get3A_193 = arith.constant 0 : index
    %get3A_194 = arith.constant 0 : index
    %get3A_195 = vector.load %arg14[%get3A_191, %get3A_192, %get3A_193, %get3A_194] : memref<2x8x256x128xf32, #tpu.memory_space<vmem>>, vector<1x1x256x128xf32>
    %get3A_196 = vector.shape_cast %get3A_195 : vector<1x1x256x128xf32> to vector<256x128xf32>
    %dot_general3A_197 = arith.constant dense<0.000000e+00> : vector<2048x128xf32>
    %dot_general3A_198 = tpu.matmul %mul3A_190, %get3A_196, %dot_general3A_197 {dimension_numbers = #tpu.dot_dimension_numbers<[1], [0], [0], [1], [0, 0, 1, 1], [], []>, transpose_lhs_hint = false} : vector<2048x256xf32>, vector<256x128xf32>, vector<2048x128xf32> -> vector<2048x128xf32>
    %get3A_199 = arith.constant 0 : index
    %get3A_200 = arith.constant 0 : index
    %get3A_201 = arith.constant 0 : index
    %get3A_202 = arith.constant 0 : index
    %get3A_203 = vector.load %arg15[%get3A_199, %get3A_200, %get3A_201, %get3A_202] : memref<2x8x1x128xf32, #tpu.memory_space<vmem>>, vector<1x1x1x128xf32>
    %get3A_204 = vector.shape_cast %get3A_203 : vector<1x1x1x128xf32> to vector<1x128xf32>
    %add3A_205 = vector.broadcast %get3A_204 : vector<1x128xf32> to vector<2048x128xf32>
    %add3A_206 = arith.addf %dot_general3A_198, %add3A_205 : vector<2048x128xf32>
    %slice3A = vector.extract_strided_slice %add3A_133 {offsets = [0, 0], sizes = [2048, 1], strides = [1, 1]} : vector<2048x8xf32> to vector<2048x1xf32>
    %mul3A_207 = vector.broadcast %slice3A : vector<2048x1xf32> to vector<2048x128xf32>
    %mul3A_208 = arith.mulf %add3A_206, %mul3A_207 : vector<2048x128xf32>
    %add3A_209 = arith.addf %broadcast_in_dim3A_159, %mul3A_208 : vector<2048x128xf32>
    %get3A_210 = arith.constant 0 : index
    %get3A_211 = arith.constant 1 : index
    %get3A_212 = arith.constant 0 : index
    %get3A_213 = arith.constant 0 : index
    %get3A_214 = vector.load %arg12[%get3A_210, %get3A_211, %get3A_212, %get3A_213] : memref<2x8x128x256xf32, #tpu.memory_space<vmem>>, vector<1x1x128x256xf32>
    %get3A_215 = vector.shape_cast %get3A_214 : vector<1x1x128x256xf32> to vector<128x256xf32>
    %dot_general3A_216 = arith.constant dense<0.000000e+00> : vector<2048x256xf32>
    %dot_general3A_217 = tpu.matmul %add3A_70, %get3A_215, %dot_general3A_216 {dimension_numbers = #tpu.dot_dimension_numbers<[1], [0], [0], [1], [0, 0, 1, 1], [], []>, transpose_lhs_hint = false} : vector<2048x128xf32>, vector<128x256xf32>, vector<2048x256xf32> -> vector<2048x256xf32>
    %get3A_218 = arith.constant 0 : index
    %get3A_219 = arith.constant 1 : index
    %get3A_220 = arith.constant 0 : index
    %get3A_221 = arith.constant 0 : index
    %get3A_222 = vector.load %arg13[%get3A_218, %get3A_219, %get3A_220, %get3A_221] : memref<2x8x1x256xf32, #tpu.memory_space<vmem>>, vector<1x1x1x256xf32>
    %get3A_223 = vector.shape_cast %get3A_222 : vector<1x1x1x256xf32> to vector<1x256xf32>
    %add3A_224 = vector.broadcast %get3A_223 : vector<1x256xf32> to vector<2048x256xf32>
    %add3A_225 = arith.addf %dot_general3A_217, %add3A_224 : vector<2048x256xf32>
    %integer_pow3A_226 = arith.mulf %add3A_225, %add3A_225 : vector<2048x256xf32>
    %integer_pow3A_227 = arith.mulf %add3A_225, %integer_pow3A_226 : vector<2048x256xf32>
    %mul3A_228 = arith.constant 4.471500e-02 : f32
    %mul3A_229 = vector.broadcast %mul3A_228 : f32 to vector<2048x256xf32>
    %mul3A_230 = arith.mulf %mul3A_229, %integer_pow3A_227 : vector<2048x256xf32>
    %add3A_231 = arith.addf %add3A_225, %mul3A_230 : vector<2048x256xf32>
    %mul3A_232 = arith.constant 0.797884583 : f32
    %mul3A_233 = vector.broadcast %mul3A_232 : f32 to vector<2048x256xf32>
    %mul3A_234 = arith.mulf %mul3A_233, %add3A_231 : vector<2048x256xf32>
    %tanh3A_235 = math.tanh %mul3A_234 : vector<2048x256xf32>
    %add3A_236 = arith.constant 1.000000e+00 : f32
    %add3A_237 = vector.broadcast %add3A_236 : f32 to vector<2048x256xf32>
    %add3A_238 = arith.addf %add3A_237, %tanh3A_235 : vector<2048x256xf32>
    %mul3A_239 = arith.constant 5.000000e-01 : f32
    %mul3A_240 = vector.broadcast %mul3A_239 : f32 to vector<2048x256xf32>
    %mul3A_241 = arith.mulf %mul3A_240, %add3A_238 : vector<2048x256xf32>
    %mul3A_242 = arith.mulf %add3A_225, %mul3A_241 : vector<2048x256xf32>
    %get3A_243 = arith.constant 0 : index
    %get3A_244 = arith.constant 1 : index
    %get3A_245 = arith.constant 0 : index
    %get3A_246 = arith.constant 0 : index
    %get3A_247 = vector.load %arg14[%get3A_243, %get3A_244, %get3A_245, %get3A_246] : memref<2x8x256x128xf32, #tpu.memory_space<vmem>>, vector<1x1x256x128xf32>
    %get3A_248 = vector.shape_cast %get3A_247 : vector<1x1x256x128xf32> to vector<256x128xf32>
    %dot_general3A_249 = arith.constant dense<0.000000e+00> : vector<2048x128xf32>
    %dot_general3A_250 = tpu.matmul %mul3A_242, %get3A_248, %dot_general3A_249 {dimension_numbers = #tpu.dot_dimension_numbers<[1], [0], [0], [1], [0, 0, 1, 1], [], []>, transpose_lhs_hint = false} : vector<2048x256xf32>, vector<256x128xf32>, vector<2048x128xf32> -> vector<2048x128xf32>
    %get3A_251 = arith.constant 0 : index
    %get3A_252 = arith.constant 1 : index
    %get3A_253 = arith.constant 0 : index
    %get3A_254 = arith.constant 0 : index
    %get3A_255 = vector.load %arg15[%get3A_251, %get3A_252, %get3A_253, %get3A_254] : memref<2x8x1x128xf32, #tpu.memory_space<vmem>>, vector<1x1x1x128xf32>
    %get3A_256 = vector.shape_cast %get3A_255 : vector<1x1x1x128xf32> to vector<1x128xf32>
    %add3A_257 = vector.broadcast %get3A_256 : vector<1x128xf32> to vector<2048x128xf32>
    %add3A_258 = arith.addf %dot_general3A_250, %add3A_257 : vector<2048x128xf32>
    %slice3A_259 = vector.extract_strided_slice %add3A_133 {offsets = [0, 1], sizes = [2048, 1], strides = [1, 1]} : vector<2048x8xf32> to vector<2048x1xf32>
    %mul3A_260 = vector.broadcast %slice3A_259 : vector<2048x1xf32> to vector<2048x128xf32>
    %mul3A_261 = arith.mulf %add3A_258, %mul3A_260 : vector<2048x128xf32>
    %add3A_262 = arith.addf %add3A_209, %mul3A_261 : vector<2048x128xf32>
    %get3A_263 = arith.constant 0 : index
    %get3A_264 = arith.constant 2 : index
    %get3A_265 = arith.constant 0 : index
    %get3A_266 = arith.constant 0 : index
    %get3A_267 = vector.load %arg12[%get3A_263, %get3A_264, %get3A_265, %get3A_266] : memref<2x8x128x256xf32, #tpu.memory_space<vmem>>, vector<1x1x128x256xf32>
    %get3A_268 = vector.shape_cast %get3A_267 : vector<1x1x128x256xf32> to vector<128x256xf32>
    %dot_general3A_269 = arith.constant dense<0.000000e+00> : vector<2048x256xf32>
    %dot_general3A_270 = tpu.matmul %add3A_70, %get3A_268, %dot_general3A_269 {dimension_numbers = #tpu.dot_dimension_numbers<[1], [0], [0], [1], [0, 0, 1, 1], [], []>, transpose_lhs_hint = false} : vector<2048x128xf32>, vector<128x256xf32>, vector<2048x256xf32> -> vector<2048x256xf32>
    %get3A_271 = arith.constant 0 : index
    %get3A_272 = arith.constant 2 : index
    %get3A_273 = arith.constant 0 : index
    %get3A_274 = arith.constant 0 : index
    %get3A_275 = vector.load %arg13[%get3A_271, %get3A_272, %get3A_273, %get3A_274] : memref<2x8x1x256xf32, #tpu.memory_space<vmem>>, vector<1x1x1x256xf32>
    %get3A_276 = vector.shape_cast %get3A_275 : vector<1x1x1x256xf32> to vector<1x256xf32>
    %add3A_277 = vector.broadcast %get3A_276 : vector<1x256xf32> to vector<2048x256xf32>
    %add3A_278 = arith.addf %dot_general3A_270, %add3A_277 : vector<2048x256xf32>
    %integer_pow3A_279 = arith.mulf %add3A_278, %add3A_278 : vector<2048x256xf32>
    %integer_pow3A_280 = arith.mulf %add3A_278, %integer_pow3A_279 : vector<2048x256xf32>
    %mul3A_281 = arith.constant 4.471500e-02 : f32
    %mul3A_282 = vector.broadcast %mul3A_281 : f32 to vector<2048x256xf32>
    %mul3A_283 = arith.mulf %mul3A_282, %integer_pow3A_280 : vector<2048x256xf32>
    %add3A_284 = arith.addf %add3A_278, %mul3A_283 : vector<2048x256xf32>
    %mul3A_285 = arith.constant 0.797884583 : f32
    %mul3A_286 = vector.broadcast %mul3A_285 : f32 to vector<2048x256xf32>
    %mul3A_287 = arith.mulf %mul3A_286, %add3A_284 : vector<2048x256xf32>
    %tanh3A_288 = math.tanh %mul3A_287 : vector<2048x256xf32>
    %add3A_289 = arith.constant 1.000000e+00 : f32
    %add3A_290 = vector.broadcast %add3A_289 : f32 to vector<2048x256xf32>
    %add3A_291 = arith.addf %add3A_290, %tanh3A_288 : vector<2048x256xf32>
    %mul3A_292 = arith.constant 5.000000e-01 : f32
    %mul3A_293 = vector.broadcast %mul3A_292 : f32 to vector<2048x256xf32>
    %mul3A_294 = arith.mulf %mul3A_293, %add3A_291 : vector<2048x256xf32>
    %mul3A_295 = arith.mulf %add3A_278, %mul3A_294 : vector<2048x256xf32>
    %get3A_296 = arith.constant 0 : index
    %get3A_297 = arith.constant 2 : index
    %get3A_298 = arith.constant 0 : index
    %get3A_299 = arith.constant 0 : index
    %get3A_300 = vector.load %arg14[%get3A_296, %get3A_297, %get3A_298, %get3A_299] : memref<2x8x256x128xf32, #tpu.memory_space<vmem>>, vector<1x1x256x128xf32>
    %get3A_301 = vector.shape_cast %get3A_300 : vector<1x1x256x128xf32> to vector<256x128xf32>
    %dot_general3A_302 = arith.constant dense<0.000000e+00> : vector<2048x128xf32>
    %dot_general3A_303 = tpu.matmul %mul3A_295, %get3A_301, %dot_general3A_302 {dimension_numbers = #tpu.dot_dimension_numbers<[1], [0], [0], [1], [0, 0, 1, 1], [], []>, transpose_lhs_hint = false} : vector<2048x256xf32>, vector<256x128xf32>, vector<2048x128xf32> -> vector<2048x128xf32>
    %get3A_304 = arith.constant 0 : index
    %get3A_305 = arith.constant 2 : index
    %get3A_306 = arith.constant 0 : index
    %get3A_307 = arith.constant 0 : index
    %get3A_308 = vector.load %arg15[%get3A_304, %get3A_305, %get3A_306, %get3A_307] : memref<2x8x1x128xf32, #tpu.memory_space<vmem>>, vector<1x1x1x128xf32>
    %get3A_309 = vector.shape_cast %get3A_308 : vector<1x1x1x128xf32> to vector<1x128xf32>
    %add3A_310 = vector.broadcast %get3A_309 : vector<1x128xf32> to vector<2048x128xf32>
    %add3A_311 = arith.addf %dot_general3A_303, %add3A_310 : vector<2048x128xf32>
    %slice3A_312 = vector.extract_strided_slice %add3A_133 {offsets = [0, 2], sizes = [2048, 1], strides = [1, 1]} : vector<2048x8xf32> to vector<2048x1xf32>
    %mul3A_313 = vector.broadcast %slice3A_312 : vector<2048x1xf32> to vector<2048x128xf32>
    %mul3A_314 = arith.mulf %add3A_311, %mul3A_313 : vector<2048x128xf32>
    %add3A_315 = arith.addf %add3A_262, %mul3A_314 : vector<2048x128xf32>
    %get3A_316 = arith.constant 0 : index
    %get3A_317 = arith.constant 3 : index
    %get3A_318 = arith.constant 0 : index
    %get3A_319 = arith.constant 0 : index
    %get3A_320 = vector.load %arg12[%get3A_316, %get3A_317, %get3A_318, %get3A_319] : memref<2x8x128x256xf32, #tpu.memory_space<vmem>>, vector<1x1x128x256xf32>
    %get3A_321 = vector.shape_cast %get3A_320 : vector<1x1x128x256xf32> to vector<128x256xf32>
    %dot_general3A_322 = arith.constant dense<0.000000e+00> : vector<2048x256xf32>
    %dot_general3A_323 = tpu.matmul %add3A_70, %get3A_321, %dot_general3A_322 {dimension_numbers = #tpu.dot_dimension_numbers<[1], [0], [0], [1], [0, 0, 1, 1], [], []>, transpose_lhs_hint = false} : vector<2048x128xf32>, vector<128x256xf32>, vector<2048x256xf32> -> vector<2048x256xf32>
    %get3A_324 = arith.constant 0 : index
    %get3A_325 = arith.constant 3 : index
    %get3A_326 = arith.constant 0 : index
    %get3A_327 = arith.constant 0 : index
    %get3A_328 = vector.load %arg13[%get3A_324, %get3A_325, %get3A_326, %get3A_327] : memref<2x8x1x256xf32, #tpu.memory_space<vmem>>, vector<1x1x1x256xf32>
    %get3A_329 = vector.shape_cast %get3A_328 : vector<1x1x1x256xf32> to vector<1x256xf32>
    %add3A_330 = vector.broadcast %get3A_329 : vector<1x256xf32> to vector<2048x256xf32>
    %add3A_331 = arith.addf %dot_general3A_323, %add3A_330 : vector<2048x256xf32>
    %integer_pow3A_332 = arith.mulf %add3A_331, %add3A_331 : vector<2048x256xf32>
    %integer_pow3A_333 = arith.mulf %add3A_331, %integer_pow3A_332 : vector<2048x256xf32>
    %mul3A_334 = arith.constant 4.471500e-02 : f32
    %mul3A_335 = vector.broadcast %mul3A_334 : f32 to vector<2048x256xf32>
    %mul3A_336 = arith.mulf %mul3A_335, %integer_pow3A_333 : vector<2048x256xf32>
    %add3A_337 = arith.addf %add3A_331, %mul3A_336 : vector<2048x256xf32>
    %mul3A_338 = arith.constant 0.797884583 : f32
    %mul3A_339 = vector.broadcast %mul3A_338 : f32 to vector<2048x256xf32>
    %mul3A_340 = arith.mulf %mul3A_339, %add3A_337 : vector<2048x256xf32>
    %tanh3A_341 = math.tanh %mul3A_340 : vector<2048x256xf32>
    %add3A_342 = arith.constant 1.000000e+00 : f32
    %add3A_343 = vector.broadcast %add3A_342 : f32 to vector<2048x256xf32>
    %add3A_344 = arith.addf %add3A_343, %tanh3A_341 : vector<2048x256xf32>
    %mul3A_345 = arith.constant 5.000000e-01 : f32
    %mul3A_346 = vector.broadcast %mul3A_345 : f32 to vector<2048x256xf32>
    %mul3A_347 = arith.mulf %mul3A_346, %add3A_344 : vector<2048x256xf32>
    %mul3A_348 = arith.mulf %add3A_331, %mul3A_347 : vector<2048x256xf32>
    %get3A_349 = arith.constant 0 : index
    %get3A_350 = arith.constant 3 : index
    %get3A_351 = arith.constant 0 : index
    %get3A_352 = arith.constant 0 : index
    %get3A_353 = vector.load %arg14[%get3A_349, %get3A_350, %get3A_351, %get3A_352] : memref<2x8x256x128xf32, #tpu.memory_space<vmem>>, vector<1x1x256x128xf32>
    %get3A_354 = vector.shape_cast %get3A_353 : vector<1x1x256x128xf32> to vector<256x128xf32>
    %dot_general3A_355 = arith.constant dense<0.000000e+00> : vector<2048x128xf32>
    %dot_general3A_356 = tpu.matmul %mul3A_348, %get3A_354, %dot_general3A_355 {dimension_numbers = #tpu.dot_dimension_numbers<[1], [0], [0], [1], [0, 0, 1, 1], [], []>, transpose_lhs_hint = false} : vector<2048x256xf32>, vector<256x128xf32>, vector<2048x128xf32> -> vector<2048x128xf32>
    %get3A_357 = arith.constant 0 : index
    %get3A_358 = arith.constant 3 : index
    %get3A_359 = arith.constant 0 : index
    %get3A_360 = arith.constant 0 : index
    %get3A_361 = vector.load %arg15[%get3A_357, %get3A_358, %get3A_359, %get3A_360] : memref<2x8x1x128xf32, #tpu.memory_space<vmem>>, vector<1x1x1x128xf32>
    %get3A_362 = vector.shape_cast %get3A_361 : vector<1x1x1x128xf32> to vector<1x128xf32>
    %add3A_363 = vector.broadcast %get3A_362 : vector<1x128xf32> to vector<2048x128xf32>
    %add3A_364 = arith.addf %dot_general3A_356, %add3A_363 : vector<2048x128xf32>
    %slice3A_365 = vector.extract_strided_slice %add3A_133 {offsets = [0, 3], sizes = [2048, 1], strides = [1, 1]} : vector<2048x8xf32> to vector<2048x1xf32>
    %mul3A_366 = vector.broadcast %slice3A_365 : vector<2048x1xf32> to vector<2048x128xf32>
    %mul3A_367 = arith.mulf %add3A_364, %mul3A_366 : vector<2048x128xf32>
    %add3A_368 = arith.addf %add3A_315, %mul3A_367 : vector<2048x128xf32>
    %get3A_369 = arith.constant 0 : index
    %get3A_370 = arith.constant 4 : index
    %get3A_371 = arith.constant 0 : index
    %get3A_372 = arith.constant 0 : index
    %get3A_373 = vector.load %arg12[%get3A_369, %get3A_370, %get3A_371, %get3A_372] : memref<2x8x128x256xf32, #tpu.memory_space<vmem>>, vector<1x1x128x256xf32>
    %get3A_374 = vector.shape_cast %get3A_373 : vector<1x1x128x256xf32> to vector<128x256xf32>
    %dot_general3A_375 = arith.constant dense<0.000000e+00> : vector<2048x256xf32>
    %dot_general3A_376 = tpu.matmul %add3A_70, %get3A_374, %dot_general3A_375 {dimension_numbers = #tpu.dot_dimension_numbers<[1], [0], [0], [1], [0, 0, 1, 1], [], []>, transpose_lhs_hint = false} : vector<2048x128xf32>, vector<128x256xf32>, vector<2048x256xf32> -> vector<2048x256xf32>
    %get3A_377 = arith.constant 0 : index
    %get3A_378 = arith.constant 4 : index
    %get3A_379 = arith.constant 0 : index
    %get3A_380 = arith.constant 0 : index
    %get3A_381 = vector.load %arg13[%get3A_377, %get3A_378, %get3A_379, %get3A_380] : memref<2x8x1x256xf32, #tpu.memory_space<vmem>>, vector<1x1x1x256xf32>
    %get3A_382 = vector.shape_cast %get3A_381 : vector<1x1x1x256xf32> to vector<1x256xf32>
    %add3A_383 = vector.broadcast %get3A_382 : vector<1x256xf32> to vector<2048x256xf32>
    %add3A_384 = arith.addf %dot_general3A_376, %add3A_383 : vector<2048x256xf32>
    %integer_pow3A_385 = arith.mulf %add3A_384, %add3A_384 : vector<2048x256xf32>
    %integer_pow3A_386 = arith.mulf %add3A_384, %integer_pow3A_385 : vector<2048x256xf32>
    %mul3A_387 = arith.constant 4.471500e-02 : f32
    %mul3A_388 = vector.broadcast %mul3A_387 : f32 to vector<2048x256xf32>
    %mul3A_389 = arith.mulf %mul3A_388, %integer_pow3A_386 : vector<2048x256xf32>
    %add3A_390 = arith.addf %add3A_384, %mul3A_389 : vector<2048x256xf32>
    %mul3A_391 = arith.constant 0.797884583 : f32
    %mul3A_392 = vector.broadcast %mul3A_391 : f32 to vector<2048x256xf32>
    %mul3A_393 = arith.mulf %mul3A_392, %add3A_390 : vector<2048x256xf32>
    %tanh3A_394 = math.tanh %mul3A_393 : vector<2048x256xf32>
    %add3A_395 = arith.constant 1.000000e+00 : f32
    %add3A_396 = vector.broadcast %add3A_395 : f32 to vector<2048x256xf32>
    %add3A_397 = arith.addf %add3A_396, %tanh3A_394 : vector<2048x256xf32>
    %mul3A_398 = arith.constant 5.000000e-01 : f32
    %mul3A_399 = vector.broadcast %mul3A_398 : f32 to vector<2048x256xf32>
    %mul3A_400 = arith.mulf %mul3A_399, %add3A_397 : vector<2048x256xf32>
    %mul3A_401 = arith.mulf %add3A_384, %mul3A_400 : vector<2048x256xf32>
    %get3A_402 = arith.constant 0 : index
    %get3A_403 = arith.constant 4 : index
    %get3A_404 = arith.constant 0 : index
    %get3A_405 = arith.constant 0 : index
    %get3A_406 = vector.load %arg14[%get3A_402, %get3A_403, %get3A_404, %get3A_405] : memref<2x8x256x128xf32, #tpu.memory_space<vmem>>, vector<1x1x256x128xf32>
    %get3A_407 = vector.shape_cast %get3A_406 : vector<1x1x256x128xf32> to vector<256x128xf32>
    %dot_general3A_408 = arith.constant dense<0.000000e+00> : vector<2048x128xf32>
    %dot_general3A_409 = tpu.matmul %mul3A_401, %get3A_407, %dot_general3A_408 {dimension_numbers = #tpu.dot_dimension_numbers<[1], [0], [0], [1], [0, 0, 1, 1], [], []>, transpose_lhs_hint = false} : vector<2048x256xf32>, vector<256x128xf32>, vector<2048x128xf32> -> vector<2048x128xf32>
    %get3A_410 = arith.constant 0 : index
    %get3A_411 = arith.constant 4 : index
    %get3A_412 = arith.constant 0 : index
    %get3A_413 = arith.constant 0 : index
    %get3A_414 = vector.load %arg15[%get3A_410, %get3A_411, %get3A_412, %get3A_413] : memref<2x8x1x128xf32, #tpu.memory_space<vmem>>, vector<1x1x1x128xf32>
    %get3A_415 = vector.shape_cast %get3A_414 : vector<1x1x1x128xf32> to vector<1x128xf32>
    %add3A_416 = vector.broadcast %get3A_415 : vector<1x128xf32> to vector<2048x128xf32>
    %add3A_417 = arith.addf %dot_general3A_409, %add3A_416 : vector<2048x128xf32>
    %slice3A_418 = vector.extract_strided_slice %add3A_133 {offsets = [0, 4], sizes = [2048, 1], strides = [1, 1]} : vector<2048x8xf32> to vector<2048x1xf32>
    %mul3A_419 = vector.broadcast %slice3A_418 : vector<2048x1xf32> to vector<2048x128xf32>
    %mul3A_420 = arith.mulf %add3A_417, %mul3A_419 : vector<2048x128xf32>
    %add3A_421 = arith.addf %add3A_368, %mul3A_420 : vector<2048x128xf32>
    %get3A_422 = arith.constant 0 : index
    %get3A_423 = arith.constant 5 : index
    %get3A_424 = arith.constant 0 : index
    %get3A_425 = arith.constant 0 : index
    %get3A_426 = vector.load %arg12[%get3A_422, %get3A_423, %get3A_424, %get3A_425] : memref<2x8x128x256xf32, #tpu.memory_space<vmem>>, vector<1x1x128x256xf32>
    %get3A_427 = vector.shape_cast %get3A_426 : vector<1x1x128x256xf32> to vector<128x256xf32>
    %dot_general3A_428 = arith.constant dense<0.000000e+00> : vector<2048x256xf32>
    %dot_general3A_429 = tpu.matmul %add3A_70, %get3A_427, %dot_general3A_428 {dimension_numbers = #tpu.dot_dimension_numbers<[1], [0], [0], [1], [0, 0, 1, 1], [], []>, transpose_lhs_hint = false} : vector<2048x128xf32>, vector<128x256xf32>, vector<2048x256xf32> -> vector<2048x256xf32>
    %get3A_430 = arith.constant 0 : index
    %get3A_431 = arith.constant 5 : index
    %get3A_432 = arith.constant 0 : index
    %get3A_433 = arith.constant 0 : index
    %get3A_434 = vector.load %arg13[%get3A_430, %get3A_431, %get3A_432, %get3A_433] : memref<2x8x1x256xf32, #tpu.memory_space<vmem>>, vector<1x1x1x256xf32>
    %get3A_435 = vector.shape_cast %get3A_434 : vector<1x1x1x256xf32> to vector<1x256xf32>
    %add3A_436 = vector.broadcast %get3A_435 : vector<1x256xf32> to vector<2048x256xf32>
    %add3A_437 = arith.addf %dot_general3A_429, %add3A_436 : vector<2048x256xf32>
    %integer_pow3A_438 = arith.mulf %add3A_437, %add3A_437 : vector<2048x256xf32>
    %integer_pow3A_439 = arith.mulf %add3A_437, %integer_pow3A_438 : vector<2048x256xf32>
    %mul3A_440 = arith.constant 4.471500e-02 : f32
    %mul3A_441 = vector.broadcast %mul3A_440 : f32 to vector<2048x256xf32>
    %mul3A_442 = arith.mulf %mul3A_441, %integer_pow3A_439 : vector<2048x256xf32>
    %add3A_443 = arith.addf %add3A_437, %mul3A_442 : vector<2048x256xf32>
    %mul3A_444 = arith.constant 0.797884583 : f32
    %mul3A_445 = vector.broadcast %mul3A_444 : f32 to vector<2048x256xf32>
    %mul3A_446 = arith.mulf %mul3A_445, %add3A_443 : vector<2048x256xf32>
    %tanh3A_447 = math.tanh %mul3A_446 : vector<2048x256xf32>
    %add3A_448 = arith.constant 1.000000e+00 : f32
    %add3A_449 = vector.broadcast %add3A_448 : f32 to vector<2048x256xf32>
    %add3A_450 = arith.addf %add3A_449, %tanh3A_447 : vector<2048x256xf32>
    %mul3A_451 = arith.constant 5.000000e-01 : f32
    %mul3A_452 = vector.broadcast %mul3A_451 : f32 to vector<2048x256xf32>
    %mul3A_453 = arith.mulf %mul3A_452, %add3A_450 : vector<2048x256xf32>
    %mul3A_454 = arith.mulf %add3A_437, %mul3A_453 : vector<2048x256xf32>
    %get3A_455 = arith.constant 0 : index
    %get3A_456 = arith.constant 5 : index
    %get3A_457 = arith.constant 0 : index
    %get3A_458 = arith.constant 0 : index
    %get3A_459 = vector.load %arg14[%get3A_455, %get3A_456, %get3A_457, %get3A_458] : memref<2x8x256x128xf32, #tpu.memory_space<vmem>>, vector<1x1x256x128xf32>
    %get3A_460 = vector.shape_cast %get3A_459 : vector<1x1x256x128xf32> to vector<256x128xf32>
    %dot_general3A_461 = arith.constant dense<0.000000e+00> : vector<2048x128xf32>
    %dot_general3A_462 = tpu.matmul %mul3A_454, %get3A_460, %dot_general3A_461 {dimension_numbers = #tpu.dot_dimension_numbers<[1], [0], [0], [1], [0, 0, 1, 1], [], []>, transpose_lhs_hint = false} : vector<2048x256xf32>, vector<256x128xf32>, vector<2048x128xf32> -> vector<2048x128xf32>
    %get3A_463 = arith.constant 0 : index
    %get3A_464 = arith.constant 5 : index
    %get3A_465 = arith.constant 0 : index
    %get3A_466 = arith.constant 0 : index
    %get3A_467 = vector.load %arg15[%get3A_463, %get3A_464, %get3A_465, %get3A_466] : memref<2x8x1x128xf32, #tpu.memory_space<vmem>>, vector<1x1x1x128xf32>
    %get3A_468 = vector.shape_cast %get3A_467 : vector<1x1x1x128xf32> to vector<1x128xf32>
    %add3A_469 = vector.broadcast %get3A_468 : vector<1x128xf32> to vector<2048x128xf32>
    %add3A_470 = arith.addf %dot_general3A_462, %add3A_469 : vector<2048x128xf32>
    %slice3A_471 = vector.extract_strided_slice %add3A_133 {offsets = [0, 5], sizes = [2048, 1], strides = [1, 1]} : vector<2048x8xf32> to vector<2048x1xf32>
    %mul3A_472 = vector.broadcast %slice3A_471 : vector<2048x1xf32> to vector<2048x128xf32>
    %mul3A_473 = arith.mulf %add3A_470, %mul3A_472 : vector<2048x128xf32>
    %add3A_474 = arith.addf %add3A_421, %mul3A_473 : vector<2048x128xf32>
    %get3A_475 = arith.constant 0 : index
    %get3A_476 = arith.constant 6 : index
    %get3A_477 = arith.constant 0 : index
    %get3A_478 = arith.constant 0 : index
    %get3A_479 = vector.load %arg12[%get3A_475, %get3A_476, %get3A_477, %get3A_478] : memref<2x8x128x256xf32, #tpu.memory_space<vmem>>, vector<1x1x128x256xf32>
    %get3A_480 = vector.shape_cast %get3A_479 : vector<1x1x128x256xf32> to vector<128x256xf32>
    %dot_general3A_481 = arith.constant dense<0.000000e+00> : vector<2048x256xf32>
    %dot_general3A_482 = tpu.matmul %add3A_70, %get3A_480, %dot_general3A_481 {dimension_numbers = #tpu.dot_dimension_numbers<[1], [0], [0], [1], [0, 0, 1, 1], [], []>, transpose_lhs_hint = false} : vector<2048x128xf32>, vector<128x256xf32>, vector<2048x256xf32> -> vector<2048x256xf32>
    %get3A_483 = arith.constant 0 : index
    %get3A_484 = arith.constant 6 : index
    %get3A_485 = arith.constant 0 : index
    %get3A_486 = arith.constant 0 : index
    %get3A_487 = vector.load %arg13[%get3A_483, %get3A_484, %get3A_485, %get3A_486] : memref<2x8x1x256xf32, #tpu.memory_space<vmem>>, vector<1x1x1x256xf32>
    %get3A_488 = vector.shape_cast %get3A_487 : vector<1x1x1x256xf32> to vector<1x256xf32>
    %add3A_489 = vector.broadcast %get3A_488 : vector<1x256xf32> to vector<2048x256xf32>
    %add3A_490 = arith.addf %dot_general3A_482, %add3A_489 : vector<2048x256xf32>
    %integer_pow3A_491 = arith.mulf %add3A_490, %add3A_490 : vector<2048x256xf32>
    %integer_pow3A_492 = arith.mulf %add3A_490, %integer_pow3A_491 : vector<2048x256xf32>
    %mul3A_493 = arith.constant 4.471500e-02 : f32
    %mul3A_494 = vector.broadcast %mul3A_493 : f32 to vector<2048x256xf32>
    %mul3A_495 = arith.mulf %mul3A_494, %integer_pow3A_492 : vector<2048x256xf32>
    %add3A_496 = arith.addf %add3A_490, %mul3A_495 : vector<2048x256xf32>
    %mul3A_497 = arith.constant 0.797884583 : f32
    %mul3A_498 = vector.broadcast %mul3A_497 : f32 to vector<2048x256xf32>
    %mul3A_499 = arith.mulf %mul3A_498, %add3A_496 : vector<2048x256xf32>
    %tanh3A_500 = math.tanh %mul3A_499 : vector<2048x256xf32>
    %add3A_501 = arith.constant 1.000000e+00 : f32
    %add3A_502 = vector.broadcast %add3A_501 : f32 to vector<2048x256xf32>
    %add3A_503 = arith.addf %add3A_502, %tanh3A_500 : vector<2048x256xf32>
    %mul3A_504 = arith.constant 5.000000e-01 : f32
    %mul3A_505 = vector.broadcast %mul3A_504 : f32 to vector<2048x256xf32>
    %mul3A_506 = arith.mulf %mul3A_505, %add3A_503 : vector<2048x256xf32>
    %mul3A_507 = arith.mulf %add3A_490, %mul3A_506 : vector<2048x256xf32>
    %get3A_508 = arith.constant 0 : index
    %get3A_509 = arith.constant 6 : index
    %get3A_510 = arith.constant 0 : index
    %get3A_511 = arith.constant 0 : index
    %get3A_512 = vector.load %arg14[%get3A_508, %get3A_509, %get3A_510, %get3A_511] : memref<2x8x256x128xf32, #tpu.memory_space<vmem>>, vector<1x1x256x128xf32>
    %get3A_513 = vector.shape_cast %get3A_512 : vector<1x1x256x128xf32> to vector<256x128xf32>
    %dot_general3A_514 = arith.constant dense<0.000000e+00> : vector<2048x128xf32>
    %dot_general3A_515 = tpu.matmul %mul3A_507, %get3A_513, %dot_general3A_514 {dimension_numbers = #tpu.dot_dimension_numbers<[1], [0], [0], [1], [0, 0, 1, 1], [], []>, transpose_lhs_hint = false} : vector<2048x256xf32>, vector<256x128xf32>, vector<2048x128xf32> -> vector<2048x128xf32>
    %get3A_516 = arith.constant 0 : index
    %get3A_517 = arith.constant 6 : index
    %get3A_518 = arith.constant 0 : index
    %get3A_519 = arith.constant 0 : index
    %get3A_520 = vector.load %arg15[%get3A_516, %get3A_517, %get3A_518, %get3A_519] : memref<2x8x1x128xf32, #tpu.memory_space<vmem>>, vector<1x1x1x128xf32>
    %get3A_521 = vector.shape_cast %get3A_520 : vector<1x1x1x128xf32> to vector<1x128xf32>
    %add3A_522 = vector.broadcast %get3A_521 : vector<1x128xf32> to vector<2048x128xf32>
    %add3A_523 = arith.addf %dot_general3A_515, %add3A_522 : vector<2048x128xf32>
    %slice3A_524 = vector.extract_strided_slice %add3A_133 {offsets = [0, 6], sizes = [2048, 1], strides = [1, 1]} : vector<2048x8xf32> to vector<2048x1xf32>
    %mul3A_525 = vector.broadcast %slice3A_524 : vector<2048x1xf32> to vector<2048x128xf32>
    %mul3A_526 = arith.mulf %add3A_523, %mul3A_525 : vector<2048x128xf32>
    %add3A_527 = arith.addf %add3A_474, %mul3A_526 : vector<2048x128xf32>
    %get3A_528 = arith.constant 0 : index
    %get3A_529 = arith.constant 7 : index
    %get3A_530 = arith.constant 0 : index
    %get3A_531 = arith.constant 0 : index
    %get3A_532 = vector.load %arg12[%get3A_528, %get3A_529, %get3A_530, %get3A_531] : memref<2x8x128x256xf32, #tpu.memory_space<vmem>>, vector<1x1x128x256xf32>
    %get3A_533 = vector.shape_cast %get3A_532 : vector<1x1x128x256xf32> to vector<128x256xf32>
    %dot_general3A_534 = arith.constant dense<0.000000e+00> : vector<2048x256xf32>
    %dot_general3A_535 = tpu.matmul %add3A_70, %get3A_533, %dot_general3A_534 {dimension_numbers = #tpu.dot_dimension_numbers<[1], [0], [0], [1], [0, 0, 1, 1], [], []>, transpose_lhs_hint = false} : vector<2048x128xf32>, vector<128x256xf32>, vector<2048x256xf32> -> vector<2048x256xf32>
    %get3A_536 = arith.constant 0 : index
    %get3A_537 = arith.constant 7 : index
    %get3A_538 = arith.constant 0 : index
    %get3A_539 = arith.constant 0 : index
    %get3A_540 = vector.load %arg13[%get3A_536, %get3A_537, %get3A_538, %get3A_539] : memref<2x8x1x256xf32, #tpu.memory_space<vmem>>, vector<1x1x1x256xf32>
    %get3A_541 = vector.shape_cast %get3A_540 : vector<1x1x1x256xf32> to vector<1x256xf32>
    %add3A_542 = vector.broadcast %get3A_541 : vector<1x256xf32> to vector<2048x256xf32>
    %add3A_543 = arith.addf %dot_general3A_535, %add3A_542 : vector<2048x256xf32>
    %integer_pow3A_544 = arith.mulf %add3A_543, %add3A_543 : vector<2048x256xf32>
    %integer_pow3A_545 = arith.mulf %add3A_543, %integer_pow3A_544 : vector<2048x256xf32>
    %mul3A_546 = arith.constant 4.471500e-02 : f32
    %mul3A_547 = vector.broadcast %mul3A_546 : f32 to vector<2048x256xf32>
    %mul3A_548 = arith.mulf %mul3A_547, %integer_pow3A_545 : vector<2048x256xf32>
    %add3A_549 = arith.addf %add3A_543, %mul3A_548 : vector<2048x256xf32>
    %mul3A_550 = arith.constant 0.797884583 : f32
    %mul3A_551 = vector.broadcast %mul3A_550 : f32 to vector<2048x256xf32>
    %mul3A_552 = arith.mulf %mul3A_551, %add3A_549 : vector<2048x256xf32>
    %tanh3A_553 = math.tanh %mul3A_552 : vector<2048x256xf32>
    %add3A_554 = arith.constant 1.000000e+00 : f32
    %add3A_555 = vector.broadcast %add3A_554 : f32 to vector<2048x256xf32>
    %add3A_556 = arith.addf %add3A_555, %tanh3A_553 : vector<2048x256xf32>
    %mul3A_557 = arith.constant 5.000000e-01 : f32
    %mul3A_558 = vector.broadcast %mul3A_557 : f32 to vector<2048x256xf32>
    %mul3A_559 = arith.mulf %mul3A_558, %add3A_556 : vector<2048x256xf32>
    %mul3A_560 = arith.mulf %add3A_543, %mul3A_559 : vector<2048x256xf32>
    %get3A_561 = arith.constant 0 : index
    %get3A_562 = arith.constant 7 : index
    %get3A_563 = arith.constant 0 : index
    %get3A_564 = arith.constant 0 : index
    %get3A_565 = vector.load %arg14[%get3A_561, %get3A_562, %get3A_563, %get3A_564] : memref<2x8x256x128xf32, #tpu.memory_space<vmem>>, vector<1x1x256x128xf32>
    %get3A_566 = vector.shape_cast %get3A_565 : vector<1x1x256x128xf32> to vector<256x128xf32>
    %dot_general3A_567 = arith.constant dense<0.000000e+00> : vector<2048x128xf32>
    %dot_general3A_568 = tpu.matmul %mul3A_560, %get3A_566, %dot_general3A_567 {dimension_numbers = #tpu.dot_dimension_numbers<[1], [0], [0], [1], [0, 0, 1, 1], [], []>, transpose_lhs_hint = false} : vector<2048x256xf32>, vector<256x128xf32>, vector<2048x128xf32> -> vector<2048x128xf32>
    %get3A_569 = arith.constant 0 : index
    %get3A_570 = arith.constant 7 : index
    %get3A_571 = arith.constant 0 : index
    %get3A_572 = arith.constant 0 : index
    %get3A_573 = vector.load %arg15[%get3A_569, %get3A_570, %get3A_571, %get3A_572] : memref<2x8x1x128xf32, #tpu.memory_space<vmem>>, vector<1x1x1x128xf32>
    %get3A_574 = vector.shape_cast %get3A_573 : vector<1x1x1x128xf32> to vector<1x128xf32>
    %add3A_575 = vector.broadcast %get3A_574 : vector<1x128xf32> to vector<2048x128xf32>
    %add3A_576 = arith.addf %dot_general3A_568, %add3A_575 : vector<2048x128xf32>
    %slice3A_577 = vector.extract_strided_slice %add3A_133 {offsets = [0, 7], sizes = [2048, 1], strides = [1, 1]} : vector<2048x8xf32> to vector<2048x1xf32>
    %mul3A_578 = vector.broadcast %slice3A_577 : vector<2048x1xf32> to vector<2048x128xf32>
    %mul3A_579 = arith.mulf %add3A_576, %mul3A_578 : vector<2048x128xf32>
    %add3A_580 = arith.addf %add3A_527, %mul3A_579 : vector<2048x128xf32>
    %add3A_581 = arith.addf %add3A_70, %add3A_580 : vector<2048x128xf32>
    %get3A_582 = arith.constant 0 : index
    %get3A_583 = arith.constant 0 : index
    %get3A_584 = arith.constant 0 : index
    %get3A_585 = vector.load %arg9[%get3A_582, %get3A_583, %get3A_584] : memref<2x1x128xf32, #tpu.memory_space<vmem>>, vector<1x1x128xf32>
    %get3A_586 = vector.shape_cast %get3A_585 : vector<1x1x128xf32> to vector<1x128xf32>
    %get3A_587 = arith.constant 0 : index
    %get3A_588 = arith.constant 0 : index
    %get3A_589 = arith.constant 0 : index
    %get3A_590 = vector.load %arg10[%get3A_587, %get3A_588, %get3A_589] : memref<2x1x128xf32, #tpu.memory_space<vmem>>, vector<1x1x128xf32>
    %get3A_591 = vector.shape_cast %get3A_590 : vector<1x1x128xf32> to vector<1x128xf32>
    %reduce_sum3A_592 = arith.constant dense<0.000000e+00> : vector<2048xf32>
    %reduce_sum3A_593 = vector.multi_reduction <add>, %add3A_581, %reduce_sum3A_592 [1] : vector<2048x128xf32> to vector<2048xf32>
    %broadcast_in_dim3A_594 = vector.shape_cast %reduce_sum3A_593 : vector<2048xf32> to vector<2048x1xf32>
    %div3A_595 = arith.constant 1.280000e+02 : f32
    %div3A_596 = vector.broadcast %div3A_595 : f32 to vector<2048x1xf32>
    %div3A_597 = arith.divf %broadcast_in_dim3A_594, %div3A_596 : vector<2048x1xf32>
    %jit3A_598 = arith.constant 0 : i32
    %reduce_sum3A_599 = arith.constant dense<0.000000e+00> : vector<2048xf32>
    %reduce_sum3A_600 = vector.multi_reduction <add>, %add3A_581, %reduce_sum3A_599 [1] : vector<2048x128xf32> to vector<2048xf32>
    %broadcast_in_dim3A_601 = vector.shape_cast %reduce_sum3A_600 : vector<2048xf32> to vector<2048x1xf32>
    %div3A_602 = arith.constant 1.280000e+02 : f32
    %div3A_603 = vector.broadcast %div3A_602 : f32 to vector<2048x1xf32>
    %div3A_604 = arith.divf %broadcast_in_dim3A_601, %div3A_603 : vector<2048x1xf32>
    %sub3A_605 = vector.broadcast %div3A_604 : vector<2048x1xf32> to vector<2048x128xf32>
    %sub3A_606 = arith.subf %add3A_581, %sub3A_605 : vector<2048x128xf32>
    %square3A_607 = arith.mulf %sub3A_606, %sub3A_606 : vector<2048x128xf32>
    %convert_element_type3A_608 = arith.sitofp %jit3A_598 : i32 to f32
    %sub3A_609 = arith.constant 1.280000e+02 : f32
    %sub3A_610 = arith.subf %sub3A_609, %convert_element_type3A_608 : f32
    %reduce_sum3A_611 = arith.constant dense<0.000000e+00> : vector<2048xf32>
    %reduce_sum3A_612 = vector.multi_reduction <add>, %square3A_607, %reduce_sum3A_611 [1] : vector<2048x128xf32> to vector<2048xf32>
    %broadcast_in_dim3A_613 = vector.shape_cast %reduce_sum3A_612 : vector<2048xf32> to vector<2048x1xf32>
    %div3A_614 = vector.broadcast %sub3A_610 : f32 to vector<2048x1xf32>
    %div3A_615 = arith.divf %broadcast_in_dim3A_613, %div3A_614 : vector<2048x1xf32>
    %gt3A_616 = arith.constant 0.000000e+00 : f32
    %gt3A_617 = arith.cmpf ogt, %sub3A_610, %gt3A_616 : f32
    %jit3A_618 = arith.constant 0x7FC00000 : f32
    %broadcast_in_dim3A_619 = vector.broadcast %jit3A_618 : f32 to vector<2048x1xf32>
    %select_n3A_620 = arith.select %gt3A_617, %div3A_615, %broadcast_in_dim3A_619 : vector<2048x1xf32>
    %sub3A_621 = vector.broadcast %div3A_597 : vector<2048x1xf32> to vector<2048x128xf32>
    %sub3A_622 = arith.subf %add3A_581, %sub3A_621 : vector<2048x128xf32>
    %add3A_623 = arith.constant 9.99999974E-6 : f32
    %add3A_624 = vector.broadcast %add3A_623 : f32 to vector<2048x1xf32>
    %add3A_625 = arith.addf %select_n3A_620, %add3A_624 : vector<2048x1xf32>
    %sqrt3A_626 = math.sqrt %add3A_625 : vector<2048x1xf32>
    %div3A_627 = vector.broadcast %sqrt3A_626 : vector<2048x1xf32> to vector<2048x128xf32>
    %div3A_628 = arith.divf %sub3A_622, %div3A_627 : vector<2048x128xf32>
    %mul3A_629 = vector.broadcast %get3A_586 : vector<1x128xf32> to vector<2048x128xf32>
    %mul3A_630 = arith.mulf %div3A_628, %mul3A_629 : vector<2048x128xf32>
    %add3A_631 = vector.broadcast %get3A_591 : vector<1x128xf32> to vector<2048x128xf32>
    %add3A_632 = arith.addf %mul3A_630, %add3A_631 : vector<2048x128xf32>
    %get3A_633 = arith.constant 1 : index
    %get3A_634 = arith.constant 0 : index
    %get3A_635 = arith.constant 0 : index
    %get3A_636 = vector.load %arg5[%get3A_633, %get3A_634, %get3A_635] : memref<2x128x128xf32, #tpu.memory_space<vmem>>, vector<1x128x128xf32>
    %get3A_637 = vector.shape_cast %get3A_636 : vector<1x128x128xf32> to vector<128x128xf32>
    %dot_general3A_638 = arith.constant dense<0.000000e+00> : vector<2048x128xf32>
    %dot_general3A_639 = tpu.matmul %add3A_632, %get3A_637, %dot_general3A_638 {dimension_numbers = #tpu.dot_dimension_numbers<[1], [0], [0], [1], [0, 0, 1, 1], [], []>, transpose_lhs_hint = false} : vector<2048x128xf32>, vector<128x128xf32>, vector<2048x128xf32> -> vector<2048x128xf32>
    %get3A_640 = arith.constant 1 : index
    %get3A_641 = arith.constant 0 : index
    %get3A_642 = arith.constant 0 : index
    %get3A_643 = vector.load %arg6[%get3A_640, %get3A_641, %get3A_642] : memref<2x128x128xf32, #tpu.memory_space<vmem>>, vector<1x128x128xf32>
    %get3A_644 = vector.shape_cast %get3A_643 : vector<1x128x128xf32> to vector<128x128xf32>
    %dot_general3A_645 = arith.constant dense<0.000000e+00> : vector<2048x128xf32>
    %dot_general3A_646 = tpu.matmul %dot_general3A_639, %get3A_644, %dot_general3A_645 {dimension_numbers = #tpu.dot_dimension_numbers<[1], [0], [0], [1], [0, 0, 1, 1], [], []>, transpose_lhs_hint = false} : vector<2048x128xf32>, vector<128x128xf32>, vector<2048x128xf32> -> vector<2048x128xf32>
    %add3A_647 = arith.addf %add3A_632, %dot_general3A_646 : vector<2048x128xf32>
    %get3A_648 = arith.constant 1 : index
    %get3A_649 = arith.constant 0 : index
    %get3A_650 = arith.constant 0 : index
    %get3A_651 = vector.load %arg7[%get3A_648, %get3A_649, %get3A_650] : memref<2x1x128xf32, #tpu.memory_space<vmem>>, vector<1x1x128xf32>
    %get3A_652 = vector.shape_cast %get3A_651 : vector<1x1x128xf32> to vector<1x128xf32>
    %get3A_653 = arith.constant 1 : index
    %get3A_654 = arith.constant 0 : index
    %get3A_655 = arith.constant 0 : index
    %get3A_656 = vector.load %arg8[%get3A_653, %get3A_654, %get3A_655] : memref<2x1x128xf32, #tpu.memory_space<vmem>>, vector<1x1x128xf32>
    %get3A_657 = vector.shape_cast %get3A_656 : vector<1x1x128xf32> to vector<1x128xf32>
    %reduce_sum3A_658 = arith.constant dense<0.000000e+00> : vector<2048xf32>
    %reduce_sum3A_659 = vector.multi_reduction <add>, %add3A_647, %reduce_sum3A_658 [1] : vector<2048x128xf32> to vector<2048xf32>
    %broadcast_in_dim3A_660 = vector.shape_cast %reduce_sum3A_659 : vector<2048xf32> to vector<2048x1xf32>
    %div3A_661 = arith.constant 1.280000e+02 : f32
    %div3A_662 = vector.broadcast %div3A_661 : f32 to vector<2048x1xf32>
    %div3A_663 = arith.divf %broadcast_in_dim3A_660, %div3A_662 : vector<2048x1xf32>
    %jit3A_664 = arith.constant 0 : i32
    %reduce_sum3A_665 = arith.constant dense<0.000000e+00> : vector<2048xf32>
    %reduce_sum3A_666 = vector.multi_reduction <add>, %add3A_647, %reduce_sum3A_665 [1] : vector<2048x128xf32> to vector<2048xf32>
    %broadcast_in_dim3A_667 = vector.shape_cast %reduce_sum3A_666 : vector<2048xf32> to vector<2048x1xf32>
    %div3A_668 = arith.constant 1.280000e+02 : f32
    %div3A_669 = vector.broadcast %div3A_668 : f32 to vector<2048x1xf32>
    %div3A_670 = arith.divf %broadcast_in_dim3A_667, %div3A_669 : vector<2048x1xf32>
    %sub3A_671 = vector.broadcast %div3A_670 : vector<2048x1xf32> to vector<2048x128xf32>
    %sub3A_672 = arith.subf %add3A_647, %sub3A_671 : vector<2048x128xf32>
    %square3A_673 = arith.mulf %sub3A_672, %sub3A_672 : vector<2048x128xf32>
    %convert_element_type3A_674 = arith.sitofp %jit3A_664 : i32 to f32
    %sub3A_675 = arith.constant 1.280000e+02 : f32
    %sub3A_676 = arith.subf %sub3A_675, %convert_element_type3A_674 : f32
    %reduce_sum3A_677 = arith.constant dense<0.000000e+00> : vector<2048xf32>
    %reduce_sum3A_678 = vector.multi_reduction <add>, %square3A_673, %reduce_sum3A_677 [1] : vector<2048x128xf32> to vector<2048xf32>
    %broadcast_in_dim3A_679 = vector.shape_cast %reduce_sum3A_678 : vector<2048xf32> to vector<2048x1xf32>
    %div3A_680 = vector.broadcast %sub3A_676 : f32 to vector<2048x1xf32>
    %div3A_681 = arith.divf %broadcast_in_dim3A_679, %div3A_680 : vector<2048x1xf32>
    %gt3A_682 = arith.constant 0.000000e+00 : f32
    %gt3A_683 = arith.cmpf ogt, %sub3A_676, %gt3A_682 : f32
    %jit3A_684 = arith.constant 0x7FC00000 : f32
    %broadcast_in_dim3A_685 = vector.broadcast %jit3A_684 : f32 to vector<2048x1xf32>
    %select_n3A_686 = arith.select %gt3A_683, %div3A_681, %broadcast_in_dim3A_685 : vector<2048x1xf32>
    %sub3A_687 = vector.broadcast %div3A_663 : vector<2048x1xf32> to vector<2048x128xf32>
    %sub3A_688 = arith.subf %add3A_647, %sub3A_687 : vector<2048x128xf32>
    %add3A_689 = arith.constant 9.99999974E-6 : f32
    %add3A_690 = vector.broadcast %add3A_689 : f32 to vector<2048x1xf32>
    %add3A_691 = arith.addf %select_n3A_686, %add3A_690 : vector<2048x1xf32>
    %sqrt3A_692 = math.sqrt %add3A_691 : vector<2048x1xf32>
    %div3A_693 = vector.broadcast %sqrt3A_692 : vector<2048x1xf32> to vector<2048x128xf32>
    %div3A_694 = arith.divf %sub3A_688, %div3A_693 : vector<2048x128xf32>
    %mul3A_695 = vector.broadcast %get3A_652 : vector<1x128xf32> to vector<2048x128xf32>
    %mul3A_696 = arith.mulf %div3A_694, %mul3A_695 : vector<2048x128xf32>
    %add3A_697 = vector.broadcast %get3A_657 : vector<1x128xf32> to vector<2048x128xf32>
    %add3A_698 = arith.addf %mul3A_696, %add3A_697 : vector<2048x128xf32>
    %get3A_699 = arith.constant 1 : index
    %get3A_700 = arith.constant 0 : index
    %get3A_701 = arith.constant 0 : index
    %get3A_702 = vector.load %arg11[%get3A_699, %get3A_700, %get3A_701] : memref<2x128x8xf32, #tpu.memory_space<vmem>>, vector<1x128x8xf32>
    %get3A_703 = vector.shape_cast %get3A_702 : vector<1x128x8xf32> to vector<128x8xf32>
    %dot_general3A_704 = arith.constant dense<0.000000e+00> : vector<2048x8xf32>
    %dot_general3A_705 = tpu.matmul %add3A_698, %get3A_703, %dot_general3A_704 {dimension_numbers = #tpu.dot_dimension_numbers<[1], [0], [0], [1], [0, 0, 1, 1], [], []>, transpose_lhs_hint = false} : vector<2048x128xf32>, vector<128x8xf32>, vector<2048x8xf32> -> vector<2048x8xf32>
    %reduce_max3A_706 = arith.constant dense<0xFF800000> : vector<2048xf32>
    %reduce_max3A_707 = vector.multi_reduction <maximumf>, %dot_general3A_705, %reduce_max3A_706 [1] : vector<2048x8xf32> to vector<2048xf32>
    %max3A_708 = arith.constant 0xFF800000 : f32
    %max3A_709 = vector.broadcast %max3A_708 : f32 to vector<2048xf32>
    %max3A_710 = arith.maximumf %max3A_709, %reduce_max3A_707 : vector<2048xf32>
    %broadcast_in_dim3A_711 = vector.shape_cast %max3A_710 : vector<2048xf32> to vector<2048x1xf32>
    %sub3A_712 = vector.broadcast %broadcast_in_dim3A_711 : vector<2048x1xf32> to vector<2048x8xf32>
    %sub3A_713 = arith.subf %dot_general3A_705, %sub3A_712 : vector<2048x8xf32>
    %exp3A_714 = math.exp %sub3A_713 : vector<2048x8xf32>
    %reduce_sum3A_715 = arith.constant dense<0.000000e+00> : vector<2048xf32>
    %reduce_sum3A_716 = vector.multi_reduction <add>, %exp3A_714, %reduce_sum3A_715 [1] : vector<2048x8xf32> to vector<2048xf32>
    %broadcast_in_dim3A_717 = vector.shape_cast %reduce_sum3A_716 : vector<2048xf32> to vector<2048x1xf32>
    %div3A_718 = vector.broadcast %broadcast_in_dim3A_717 : vector<2048x1xf32> to vector<2048x8xf32>
    %div3A_719 = arith.divf %exp3A_714, %div3A_718 : vector<2048x8xf32>
    %iota3A_720 = tpu.iota {dimensions = array<i32: 1>} : vector<2048x8xi32>
    %reduce_max3A_721 = arith.constant dense<0xFF800000> : vector<2048xf32>
    %reduce_max3A_722 = vector.multi_reduction <maximumf>, %div3A_719, %reduce_max3A_721 [1] : vector<2048x8xf32> to vector<2048xf32>
    %broadcast_in_dim3A_723 = vector.shape_cast %reduce_max3A_722 : vector<2048xf32> to vector<2048x1xf32>
    %eq3A_724 = vector.broadcast %broadcast_in_dim3A_723 : vector<2048x1xf32> to vector<2048x8xf32>
    %eq3A_725 = arith.cmpf oeq, %div3A_719, %eq3A_724 : vector<2048x8xf32>
    %jit3A_726 = arith.constant 8 : i32
    %broadcast_in_dim3A_727 = vector.broadcast %jit3A_726 : i32 to vector<2048x8xi32>
    %select_n3A_728 = arith.select %eq3A_725, %iota3A_720, %broadcast_in_dim3A_727 : vector<2048x8xi1>, vector<2048x8xi32>
    %reduce_min3A_729 = arith.constant dense<2147483647> : vector<2048xi32>
    %reduce_min3A_730 = vector.multi_reduction <minsi>, %select_n3A_728, %reduce_min3A_729 [1] : vector<2048x8xi32> to vector<2048xi32>
    %broadcast_in_dim3A_731 = vector.shape_cast %reduce_min3A_730 : vector<2048xi32> to vector<2048x1xi32>
    %eq3A_732 = vector.broadcast %broadcast_in_dim3A_731 : vector<2048x1xi32> to vector<2048x8xi32>
    %eq3A_733 = arith.cmpi eq, %iota3A_720, %eq3A_732 : vector<2048x8xi32>
    %jit3A_734 = arith.constant -1.000000e+00 : f32
    %broadcast_in_dim3A_735 = vector.broadcast %jit3A_734 : f32 to vector<2048x8xf32>
    %select_n3A_736 = arith.select %eq3A_733, %broadcast_in_dim3A_735, %div3A_719 : vector<2048x8xi1>, vector<2048x8xf32>
    %reduce_max3A_737 = arith.constant dense<0xFF800000> : vector<2048xf32>
    %reduce_max3A_738 = vector.multi_reduction <maximumf>, %select_n3A_736, %reduce_max3A_737 [1] : vector<2048x8xf32> to vector<2048xf32>
    %broadcast_in_dim3A_739 = vector.shape_cast %reduce_max3A_738 : vector<2048xf32> to vector<2048x1xf32>
    %eq3A_740 = vector.broadcast %broadcast_in_dim3A_739 : vector<2048x1xf32> to vector<2048x8xf32>
    %eq3A_741 = arith.cmpf oeq, %select_n3A_736, %eq3A_740 : vector<2048x8xf32>
    %jit3A_742 = arith.constant 8 : i32
    %broadcast_in_dim3A_743 = vector.broadcast %jit3A_742 : i32 to vector<2048x8xi32>
    %select_n3A_744 = arith.select %eq3A_741, %iota3A_720, %broadcast_in_dim3A_743 : vector<2048x8xi1>, vector<2048x8xi32>
    %reduce_min3A_745 = arith.constant dense<2147483647> : vector<2048xi32>
    %reduce_min3A_746 = vector.multi_reduction <minsi>, %select_n3A_744, %reduce_min3A_745 [1] : vector<2048x8xi32> to vector<2048xi32>
    %broadcast_in_dim3A_747 = vector.shape_cast %reduce_min3A_746 : vector<2048xi32> to vector<2048x1xi32>
    %eq3A_748 = vector.broadcast %broadcast_in_dim3A_747 : vector<2048x1xi32> to vector<2048x8xi32>
    %eq3A_749 = arith.cmpi eq, %iota3A_720, %eq3A_748 : vector<2048x8xi32>
    %add3A_750 = arith.addf %broadcast_in_dim3A_723, %broadcast_in_dim3A_739 : vector<2048x1xf32>
    %add3A_751 = arith.constant 9.99999971E-10 : f32
    %add3A_752 = vector.broadcast %add3A_751 : f32 to vector<2048x1xf32>
    %add3A_753 = arith.addf %add3A_750, %add3A_752 : vector<2048x1xf32>
    %div3A_754 = arith.divf %broadcast_in_dim3A_723, %add3A_753 : vector<2048x1xf32>
    %jit3A_755 = arith.constant 0.000000e+00 : f32
    %broadcast_in_dim3A_756 = vector.shape_cast %div3A_754 : vector<2048x1xf32> to vector<2048x1xf32>
    %broadcast_in_dim3A_757 = vector.broadcast %broadcast_in_dim3A_756 : vector<2048x1xf32> to vector<2048x8xf32>
    %broadcast_in_dim3A_758 = vector.broadcast %jit3A_755 : f32 to vector<2048x8xf32>
    %select_n3A_759 = arith.select %eq3A_733, %broadcast_in_dim3A_757, %broadcast_in_dim3A_758 : vector<2048x8xi1>, vector<2048x8xf32>
    %div3A_760 = arith.divf %broadcast_in_dim3A_739, %add3A_753 : vector<2048x1xf32>
    %jit3A_761 = arith.constant 0.000000e+00 : f32
    %broadcast_in_dim3A_762 = vector.shape_cast %div3A_760 : vector<2048x1xf32> to vector<2048x1xf32>
    %broadcast_in_dim3A_763 = vector.broadcast %broadcast_in_dim3A_762 : vector<2048x1xf32> to vector<2048x8xf32>
    %broadcast_in_dim3A_764 = vector.broadcast %jit3A_761 : f32 to vector<2048x8xf32>
    %select_n3A_765 = arith.select %eq3A_749, %broadcast_in_dim3A_763, %broadcast_in_dim3A_764 : vector<2048x8xi1>, vector<2048x8xf32>
    %add3A_766 = arith.addf %select_n3A_759, %select_n3A_765 : vector<2048x8xf32>
    %get3A_767 = arith.constant 2 : index
    %get3A_768 = arith.constant 0 : index
    %get3A_769 = vector.load %arg22[%get3A_767, %get3A_768] : memref<4x8xf32, #tpu.memory_space<vmem>>, vector<1x8xf32>
    %reduce_sum3A_770 = arith.constant dense<0.000000e+00> : vector<8xf32>
    %reduce_sum3A_771 = vector.multi_reduction <add>, %div3A_719, %reduce_sum3A_770 [0] : vector<2048x8xf32> to vector<8xf32>
    %broadcast_in_dim3A_772 = vector.shape_cast %reduce_sum3A_771 : vector<8xf32> to vector<1x8xf32>
    %add3A_773 = arith.addf %get3A_769, %broadcast_in_dim3A_772 : vector<1x8xf32>
    %swap3A_774 = arith.constant 2 : index
    %swap3A_775 = arith.constant 0 : index
    %swap3A_776 = vector.load %arg22[%swap3A_774, %swap3A_775] : memref<4x8xf32, #tpu.memory_space<vmem>>, vector<1x8xf32>
    tpu.vector_store %arg22[%swap3A_774, %swap3A_775], %add3A_773 {strides = array<i32>} : memref<4x8xf32, #tpu.memory_space<vmem>>, vector<1x8xf32>,
    %get3A_777 = arith.constant 3 : index
    %get3A_778 = arith.constant 0 : index
    %get3A_779 = vector.load %arg22[%get3A_777, %get3A_778] : memref<4x8xf32, #tpu.memory_space<vmem>>, vector<1x8xf32>
    %gt3A_780 = arith.constant 0.000000e+00 : f32
    %gt3A_781 = vector.broadcast %gt3A_780 : f32 to vector<2048x8xf32>
    %gt3A_782 = arith.cmpf ogt, %add3A_766, %gt3A_781 : vector<2048x8xf32>
    %convert_element_type3A_783 = arith.extui %gt3A_782 : vector<2048x8xi1> to vector<2048x8xi32>
    %convert_element_type3A_784 = arith.sitofp %convert_element_type3A_783 : vector<2048x8xi32> to vector<2048x8xf32>
    %reduce_sum3A_785 = arith.constant dense<0.000000e+00> : vector<8xf32>
    %reduce_sum3A_786 = vector.multi_reduction <add>, %convert_element_type3A_784, %reduce_sum3A_785 [0] : vector<2048x8xf32> to vector<8xf32>
    %broadcast_in_dim3A_787 = vector.shape_cast %reduce_sum3A_786 : vector<8xf32> to vector<1x8xf32>
    %add3A_788 = arith.addf %get3A_779, %broadcast_in_dim3A_787 : vector<1x8xf32>
    %swap3A_789 = arith.constant 3 : index
    %swap3A_790 = arith.constant 0 : index
    %swap3A_791 = vector.load %arg22[%swap3A_789, %swap3A_790] : memref<4x8xf32, #tpu.memory_space<vmem>>, vector<1x8xf32>
    tpu.vector_store %arg22[%swap3A_789, %swap3A_790], %add3A_788 {strides = array<i32>} : memref<4x8xf32, #tpu.memory_space<vmem>>, vector<1x8xf32>,
    %broadcast_in_dim3A_792 = arith.constant 0.000000e+00 : f32
    %broadcast_in_dim3A_793 = vector.broadcast %broadcast_in_dim3A_792 : f32 to vector<2048x128xf32>
    %get3A_794 = arith.constant 1 : index
    %get3A_795 = arith.constant 0 : index
    %get3A_796 = arith.constant 0 : index
    %get3A_797 = arith.constant 0 : index
    %get3A_798 = vector.load %arg12[%get3A_794, %get3A_795, %get3A_796, %get3A_797] : memref<2x8x128x256xf32, #tpu.memory_space<vmem>>, vector<1x1x128x256xf32>
    %get3A_799 = vector.shape_cast %get3A_798 : vector<1x1x128x256xf32> to vector<128x256xf32>
    %dot_general3A_800 = arith.constant dense<0.000000e+00> : vector<2048x256xf32>
    %dot_general3A_801 = tpu.matmul %add3A_698, %get3A_799, %dot_general3A_800 {dimension_numbers = #tpu.dot_dimension_numbers<[1], [0], [0], [1], [0, 0, 1, 1], [], []>, transpose_lhs_hint = false} : vector<2048x128xf32>, vector<128x256xf32>, vector<2048x256xf32> -> vector<2048x256xf32>
    %get3A_802 = arith.constant 1 : index
    %get3A_803 = arith.constant 0 : index
    %get3A_804 = arith.constant 0 : index
    %get3A_805 = arith.constant 0 : index
    %get3A_806 = vector.load %arg13[%get3A_802, %get3A_803, %get3A_804, %get3A_805] : memref<2x8x1x256xf32, #tpu.memory_space<vmem>>, vector<1x1x1x256xf32>
    %get3A_807 = vector.shape_cast %get3A_806 : vector<1x1x1x256xf32> to vector<1x256xf32>
    %add3A_808 = vector.broadcast %get3A_807 : vector<1x256xf32> to vector<2048x256xf32>
    %add3A_809 = arith.addf %dot_general3A_801, %add3A_808 : vector<2048x256xf32>
    %integer_pow3A_810 = arith.mulf %add3A_809, %add3A_809 : vector<2048x256xf32>
    %integer_pow3A_811 = arith.mulf %add3A_809, %integer_pow3A_810 : vector<2048x256xf32>
    %mul3A_812 = arith.constant 4.471500e-02 : f32
    %mul3A_813 = vector.broadcast %mul3A_812 : f32 to vector<2048x256xf32>
    %mul3A_814 = arith.mulf %mul3A_813, %integer_pow3A_811 : vector<2048x256xf32>
    %add3A_815 = arith.addf %add3A_809, %mul3A_814 : vector<2048x256xf32>
    %mul3A_816 = arith.constant 0.797884583 : f32
    %mul3A_817 = vector.broadcast %mul3A_816 : f32 to vector<2048x256xf32>
    %mul3A_818 = arith.mulf %mul3A_817, %add3A_815 : vector<2048x256xf32>
    %tanh3A_819 = math.tanh %mul3A_818 : vector<2048x256xf32>
    %add3A_820 = arith.constant 1.000000e+00 : f32
    %add3A_821 = vector.broadcast %add3A_820 : f32 to vector<2048x256xf32>
    %add3A_822 = arith.addf %add3A_821, %tanh3A_819 : vector<2048x256xf32>
    %mul3A_823 = arith.constant 5.000000e-01 : f32
    %mul3A_824 = vector.broadcast %mul3A_823 : f32 to vector<2048x256xf32>
    %mul3A_825 = arith.mulf %mul3A_824, %add3A_822 : vector<2048x256xf32>
    %mul3A_826 = arith.mulf %add3A_809, %mul3A_825 : vector<2048x256xf32>
    %get3A_827 = arith.constant 1 : index
    %get3A_828 = arith.constant 0 : index
    %get3A_829 = arith.constant 0 : index
    %get3A_830 = arith.constant 0 : index
    %get3A_831 = vector.load %arg14[%get3A_827, %get3A_828, %get3A_829, %get3A_830] : memref<2x8x256x128xf32, #tpu.memory_space<vmem>>, vector<1x1x256x128xf32>
    %get3A_832 = vector.shape_cast %get3A_831 : vector<1x1x256x128xf32> to vector<256x128xf32>
    %dot_general3A_833 = arith.constant dense<0.000000e+00> : vector<2048x128xf32>
    %dot_general3A_834 = tpu.matmul %mul3A_826, %get3A_832, %dot_general3A_833 {dimension_numbers = #tpu.dot_dimension_numbers<[1], [0], [0], [1], [0, 0, 1, 1], [], []>, transpose_lhs_hint = false} : vector<2048x256xf32>, vector<256x128xf32>, vector<2048x128xf32> -> vector<2048x128xf32>
    %get3A_835 = arith.constant 1 : index
    %get3A_836 = arith.constant 0 : index
    %get3A_837 = arith.constant 0 : index
    %get3A_838 = arith.constant 0 : index
    %get3A_839 = vector.load %arg15[%get3A_835, %get3A_836, %get3A_837, %get3A_838] : memref<2x8x1x128xf32, #tpu.memory_space<vmem>>, vector<1x1x1x128xf32>
    %get3A_840 = vector.shape_cast %get3A_839 : vector<1x1x1x128xf32> to vector<1x128xf32>
    %add3A_841 = vector.broadcast %get3A_840 : vector<1x128xf32> to vector<2048x128xf32>
    %add3A_842 = arith.addf %dot_general3A_834, %add3A_841 : vector<2048x128xf32>
    %slice3A_843 = vector.extract_strided_slice %add3A_766 {offsets = [0, 0], sizes = [2048, 1], strides = [1, 1]} : vector<2048x8xf32> to vector<2048x1xf32>
    %mul3A_844 = vector.broadcast %slice3A_843 : vector<2048x1xf32> to vector<2048x128xf32>
    %mul3A_845 = arith.mulf %add3A_842, %mul3A_844 : vector<2048x128xf32>
    %add3A_846 = arith.addf %broadcast_in_dim3A_793, %mul3A_845 : vector<2048x128xf32>
    %get3A_847 = arith.constant 1 : index
    %get3A_848 = arith.constant 1 : index
    %get3A_849 = arith.constant 0 : index
    %get3A_850 = arith.constant 0 : index
    %get3A_851 = vector.load %arg12[%get3A_847, %get3A_848, %get3A_849, %get3A_850] : memref<2x8x128x256xf32, #tpu.memory_space<vmem>>, vector<1x1x128x256xf32>
    %get3A_852 = vector.shape_cast %get3A_851 : vector<1x1x128x256xf32> to vector<128x256xf32>
    %dot_general3A_853 = arith.constant dense<0.000000e+00> : vector<2048x256xf32>
    %dot_general3A_854 = tpu.matmul %add3A_698, %get3A_852, %dot_general3A_853 {dimension_numbers = #tpu.dot_dimension_numbers<[1], [0], [0], [1], [0, 0, 1, 1], [], []>, transpose_lhs_hint = false} : vector<2048x128xf32>, vector<128x256xf32>, vector<2048x256xf32> -> vector<2048x256xf32>
    %get3A_855 = arith.constant 1 : index
    %get3A_856 = arith.constant 1 : index
    %get3A_857 = arith.constant 0 : index
    %get3A_858 = arith.constant 0 : index
    %get3A_859 = vector.load %arg13[%get3A_855, %get3A_856, %get3A_857, %get3A_858] : memref<2x8x1x256xf32, #tpu.memory_space<vmem>>, vector<1x1x1x256xf32>
    %get3A_860 = vector.shape_cast %get3A_859 : vector<1x1x1x256xf32> to vector<1x256xf32>
    %add3A_861 = vector.broadcast %get3A_860 : vector<1x256xf32> to vector<2048x256xf32>
    %add3A_862 = arith.addf %dot_general3A_854, %add3A_861 : vector<2048x256xf32>
    %integer_pow3A_863 = arith.mulf %add3A_862, %add3A_862 : vector<2048x256xf32>
    %integer_pow3A_864 = arith.mulf %add3A_862, %integer_pow3A_863 : vector<2048x256xf32>
    %mul3A_865 = arith.constant 4.471500e-02 : f32
    %mul3A_866 = vector.broadcast %mul3A_865 : f32 to vector<2048x256xf32>
    %mul3A_867 = arith.mulf %mul3A_866, %integer_pow3A_864 : vector<2048x256xf32>
    %add3A_868 = arith.addf %add3A_862, %mul3A_867 : vector<2048x256xf32>
    %mul3A_869 = arith.constant 0.797884583 : f32
    %mul3A_870 = vector.broadcast %mul3A_869 : f32 to vector<2048x256xf32>
    %mul3A_871 = arith.mulf %mul3A_870, %add3A_868 : vector<2048x256xf32>
    %tanh3A_872 = math.tanh %mul3A_871 : vector<2048x256xf32>
    %add3A_873 = arith.constant 1.000000e+00 : f32
    %add3A_874 = vector.broadcast %add3A_873 : f32 to vector<2048x256xf32>
    %add3A_875 = arith.addf %add3A_874, %tanh3A_872 : vector<2048x256xf32>
    %mul3A_876 = arith.constant 5.000000e-01 : f32
    %mul3A_877 = vector.broadcast %mul3A_876 : f32 to vector<2048x256xf32>
    %mul3A_878 = arith.mulf %mul3A_877, %add3A_875 : vector<2048x256xf32>
    %mul3A_879 = arith.mulf %add3A_862, %mul3A_878 : vector<2048x256xf32>
    %get3A_880 = arith.constant 1 : index
    %get3A_881 = arith.constant 1 : index
    %get3A_882 = arith.constant 0 : index
    %get3A_883 = arith.constant 0 : index
    %get3A_884 = vector.load %arg14[%get3A_880, %get3A_881, %get3A_882, %get3A_883] : memref<2x8x256x128xf32, #tpu.memory_space<vmem>>, vector<1x1x256x128xf32>
    %get3A_885 = vector.shape_cast %get3A_884 : vector<1x1x256x128xf32> to vector<256x128xf32>
    %dot_general3A_886 = arith.constant dense<0.000000e+00> : vector<2048x128xf32>
    %dot_general3A_887 = tpu.matmul %mul3A_879, %get3A_885, %dot_general3A_886 {dimension_numbers = #tpu.dot_dimension_numbers<[1], [0], [0], [1], [0, 0, 1, 1], [], []>, transpose_lhs_hint = false} : vector<2048x256xf32>, vector<256x128xf32>, vector<2048x128xf32> -> vector<2048x128xf32>
    %get3A_888 = arith.constant 1 : index
    %get3A_889 = arith.constant 1 : index
    %get3A_890 = arith.constant 0 : index
    %get3A_891 = arith.constant 0 : index
    %get3A_892 = vector.load %arg15[%get3A_888, %get3A_889, %get3A_890, %get3A_891] : memref<2x8x1x128xf32, #tpu.memory_space<vmem>>, vector<1x1x1x128xf32>
    %get3A_893 = vector.shape_cast %get3A_892 : vector<1x1x1x128xf32> to vector<1x128xf32>
    %add3A_894 = vector.broadcast %get3A_893 : vector<1x128xf32> to vector<2048x128xf32>
    %add3A_895 = arith.addf %dot_general3A_887, %add3A_894 : vector<2048x128xf32>
    %slice3A_896 = vector.extract_strided_slice %add3A_766 {offsets = [0, 1], sizes = [2048, 1], strides = [1, 1]} : vector<2048x8xf32> to vector<2048x1xf32>
    %mul3A_897 = vector.broadcast %slice3A_896 : vector<2048x1xf32> to vector<2048x128xf32>
    %mul3A_898 = arith.mulf %add3A_895, %mul3A_897 : vector<2048x128xf32>
    %add3A_899 = arith.addf %add3A_846, %mul3A_898 : vector<2048x128xf32>
    %get3A_900 = arith.constant 1 : index
    %get3A_901 = arith.constant 2 : index
    %get3A_902 = arith.constant 0 : index
    %get3A_903 = arith.constant 0 : index
    %get3A_904 = vector.load %arg12[%get3A_900, %get3A_901, %get3A_902, %get3A_903] : memref<2x8x128x256xf32, #tpu.memory_space<vmem>>, vector<1x1x128x256xf32>
    %get3A_905 = vector.shape_cast %get3A_904 : vector<1x1x128x256xf32> to vector<128x256xf32>
    %dot_general3A_906 = arith.constant dense<0.000000e+00> : vector<2048x256xf32>
    %dot_general3A_907 = tpu.matmul %add3A_698, %get3A_905, %dot_general3A_906 {dimension_numbers = #tpu.dot_dimension_numbers<[1], [0], [0], [1], [0, 0, 1, 1], [], []>, transpose_lhs_hint = false} : vector<2048x128xf32>, vector<128x256xf32>, vector<2048x256xf32> -> vector<2048x256xf32>
    %get3A_908 = arith.constant 1 : index
    %get3A_909 = arith.constant 2 : index
    %get3A_910 = arith.constant 0 : index
    %get3A_911 = arith.constant 0 : index
    %get3A_912 = vector.load %arg13[%get3A_908, %get3A_909, %get3A_910, %get3A_911] : memref<2x8x1x256xf32, #tpu.memory_space<vmem>>, vector<1x1x1x256xf32>
    %get3A_913 = vector.shape_cast %get3A_912 : vector<1x1x1x256xf32> to vector<1x256xf32>
    %add3A_914 = vector.broadcast %get3A_913 : vector<1x256xf32> to vector<2048x256xf32>
    %add3A_915 = arith.addf %dot_general3A_907, %add3A_914 : vector<2048x256xf32>
    %integer_pow3A_916 = arith.mulf %add3A_915, %add3A_915 : vector<2048x256xf32>
    %integer_pow3A_917 = arith.mulf %add3A_915, %integer_pow3A_916 : vector<2048x256xf32>
    %mul3A_918 = arith.constant 4.471500e-02 : f32
    %mul3A_919 = vector.broadcast %mul3A_918 : f32 to vector<2048x256xf32>
    %mul3A_920 = arith.mulf %mul3A_919, %integer_pow3A_917 : vector<2048x256xf32>
    %add3A_921 = arith.addf %add3A_915, %mul3A_920 : vector<2048x256xf32>
    %mul3A_922 = arith.constant 0.797884583 : f32
    %mul3A_923 = vector.broadcast %mul3A_922 : f32 to vector<2048x256xf32>
    %mul3A_924 = arith.mulf %mul3A_923, %add3A_921 : vector<2048x256xf32>
    %tanh3A_925 = math.tanh %mul3A_924 : vector<2048x256xf32>
    %add3A_926 = arith.constant 1.000000e+00 : f32
    %add3A_927 = vector.broadcast %add3A_926 : f32 to vector<2048x256xf32>
    %add3A_928 = arith.addf %add3A_927, %tanh3A_925 : vector<2048x256xf32>
    %mul3A_929 = arith.constant 5.000000e-01 : f32
    %mul3A_930 = vector.broadcast %mul3A_929 : f32 to vector<2048x256xf32>
    %mul3A_931 = arith.mulf %mul3A_930, %add3A_928 : vector<2048x256xf32>
    %mul3A_932 = arith.mulf %add3A_915, %mul3A_931 : vector<2048x256xf32>
    %get3A_933 = arith.constant 1 : index
    %get3A_934 = arith.constant 2 : index
    %get3A_935 = arith.constant 0 : index
    %get3A_936 = arith.constant 0 : index
    %get3A_937 = vector.load %arg14[%get3A_933, %get3A_934, %get3A_935, %get3A_936] : memref<2x8x256x128xf32, #tpu.memory_space<vmem>>, vector<1x1x256x128xf32>
    %get3A_938 = vector.shape_cast %get3A_937 : vector<1x1x256x128xf32> to vector<256x128xf32>
    %dot_general3A_939 = arith.constant dense<0.000000e+00> : vector<2048x128xf32>
    %dot_general3A_940 = tpu.matmul %mul3A_932, %get3A_938, %dot_general3A_939 {dimension_numbers = #tpu.dot_dimension_numbers<[1], [0], [0], [1], [0, 0, 1, 1], [], []>, transpose_lhs_hint = false} : vector<2048x256xf32>, vector<256x128xf32>, vector<2048x128xf32> -> vector<2048x128xf32>
    %get3A_941 = arith.constant 1 : index
    %get3A_942 = arith.constant 2 : index
    %get3A_943 = arith.constant 0 : index
    %get3A_944 = arith.constant 0 : index
    %get3A_945 = vector.load %arg15[%get3A_941, %get3A_942, %get3A_943, %get3A_944] : memref<2x8x1x128xf32, #tpu.memory_space<vmem>>, vector<1x1x1x128xf32>
    %get3A_946 = vector.shape_cast %get3A_945 : vector<1x1x1x128xf32> to vector<1x128xf32>
    %add3A_947 = vector.broadcast %get3A_946 : vector<1x128xf32> to vector<2048x128xf32>
    %add3A_948 = arith.addf %dot_general3A_940, %add3A_947 : vector<2048x128xf32>
    %slice3A_949 = vector.extract_strided_slice %add3A_766 {offsets = [0, 2], sizes = [2048, 1], strides = [1, 1]} : vector<2048x8xf32> to vector<2048x1xf32>
    %mul3A_950 = vector.broadcast %slice3A_949 : vector<2048x1xf32> to vector<2048x128xf32>
    %mul3A_951 = arith.mulf %add3A_948, %mul3A_950 : vector<2048x128xf32>
    %add3A_952 = arith.addf %add3A_899, %mul3A_951 : vector<2048x128xf32>
    %get3A_953 = arith.constant 1 : index
    %get3A_954 = arith.constant 3 : index
    %get3A_955 = arith.constant 0 : index
    %get3A_956 = arith.constant 0 : index
    %get3A_957 = vector.load %arg12[%get3A_953, %get3A_954, %get3A_955, %get3A_956] : memref<2x8x128x256xf32, #tpu.memory_space<vmem>>, vector<1x1x128x256xf32>
    %get3A_958 = vector.shape_cast %get3A_957 : vector<1x1x128x256xf32> to vector<128x256xf32>
    %dot_general3A_959 = arith.constant dense<0.000000e+00> : vector<2048x256xf32>
    %dot_general3A_960 = tpu.matmul %add3A_698, %get3A_958, %dot_general3A_959 {dimension_numbers = #tpu.dot_dimension_numbers<[1], [0], [0], [1], [0, 0, 1, 1], [], []>, transpose_lhs_hint = false} : vector<2048x128xf32>, vector<128x256xf32>, vector<2048x256xf32> -> vector<2048x256xf32>
    %get3A_961 = arith.constant 1 : index
    %get3A_962 = arith.constant 3 : index
    %get3A_963 = arith.constant 0 : index
    %get3A_964 = arith.constant 0 : index
    %get3A_965 = vector.load %arg13[%get3A_961, %get3A_962, %get3A_963, %get3A_964] : memref<2x8x1x256xf32, #tpu.memory_space<vmem>>, vector<1x1x1x256xf32>
    %get3A_966 = vector.shape_cast %get3A_965 : vector<1x1x1x256xf32> to vector<1x256xf32>
    %add3A_967 = vector.broadcast %get3A_966 : vector<1x256xf32> to vector<2048x256xf32>
    %add3A_968 = arith.addf %dot_general3A_960, %add3A_967 : vector<2048x256xf32>
    %integer_pow3A_969 = arith.mulf %add3A_968, %add3A_968 : vector<2048x256xf32>
    %integer_pow3A_970 = arith.mulf %add3A_968, %integer_pow3A_969 : vector<2048x256xf32>
    %mul3A_971 = arith.constant 4.471500e-02 : f32
    %mul3A_972 = vector.broadcast %mul3A_971 : f32 to vector<2048x256xf32>
    %mul3A_973 = arith.mulf %mul3A_972, %integer_pow3A_970 : vector<2048x256xf32>
    %add3A_974 = arith.addf %add3A_968, %mul3A_973 : vector<2048x256xf32>
    %mul3A_975 = arith.constant 0.797884583 : f32
    %mul3A_976 = vector.broadcast %mul3A_975 : f32 to vector<2048x256xf32>
    %mul3A_977 = arith.mulf %mul3A_976, %add3A_974 : vector<2048x256xf32>
    %tanh3A_978 = math.tanh %mul3A_977 : vector<2048x256xf32>
    %add3A_979 = arith.constant 1.000000e+00 : f32
    %add3A_980 = vector.broadcast %add3A_979 : f32 to vector<2048x256xf32>
    %add3A_981 = arith.addf %add3A_980, %tanh3A_978 : vector<2048x256xf32>
    %mul3A_982 = arith.constant 5.000000e-01 : f32
    %mul3A_983 = vector.broadcast %mul3A_982 : f32 to vector<2048x256xf32>
    %mul3A_984 = arith.mulf %mul3A_983, %add3A_981 : vector<2048x256xf32>
    %mul3A_985 = arith.mulf %add3A_968, %mul3A_984 : vector<2048x256xf32>
    %get3A_986 = arith.constant 1 : index
    %get3A_987 = arith.constant 3 : index
    %get3A_988 = arith.constant 0 : index
    %get3A_989 = arith.constant 0 : index
    %get3A_990 = vector.load %arg14[%get3A_986, %get3A_987, %get3A_988, %get3A_989] : memref<2x8x256x128xf32, #tpu.memory_space<vmem>>, vector<1x1x256x128xf32>
    %get3A_991 = vector.shape_cast %get3A_990 : vector<1x1x256x128xf32> to vector<256x128xf32>
    %dot_general3A_992 = arith.constant dense<0.000000e+00> : vector<2048x128xf32>
    %dot_general3A_993 = tpu.matmul %mul3A_985, %get3A_991, %dot_general3A_992 {dimension_numbers = #tpu.dot_dimension_numbers<[1], [0], [0], [1], [0, 0, 1, 1], [], []>, transpose_lhs_hint = false} : vector<2048x256xf32>, vector<256x128xf32>, vector<2048x128xf32> -> vector<2048x128xf32>
    %get3A_994 = arith.constant 1 : index
    %get3A_995 = arith.constant 3 : index
    %get3A_996 = arith.constant 0 : index
    %get3A_997 = arith.constant 0 : index
    %get3A_998 = vector.load %arg15[%get3A_994, %get3A_995, %get3A_996, %get3A_997] : memref<2x8x1x128xf32, #tpu.memory_space<vmem>>, vector<1x1x1x128xf32>
    %get3A_999 = vector.shape_cast %get3A_998 : vector<1x1x1x128xf32> to vector<1x128xf32>
    %add3A_1000 = vector.broadcast %get3A_999 : vector<1x128xf32> to vector<2048x128xf32>
    %add3A_1001 = arith.addf %dot_general3A_993, %add3A_1000 : vector<2048x128xf32>
    %slice3A_1002 = vector.extract_strided_slice %add3A_766 {offsets = [0, 3], sizes = [2048, 1], strides = [1, 1]} : vector<2048x8xf32> to vector<2048x1xf32>
    %mul3A_1003 = vector.broadcast %slice3A_1002 : vector<2048x1xf32> to vector<2048x128xf32>
    %mul3A_1004 = arith.mulf %add3A_1001, %mul3A_1003 : vector<2048x128xf32>
    %add3A_1005 = arith.addf %add3A_952, %mul3A_1004 : vector<2048x128xf32>
    %get3A_1006 = arith.constant 1 : index
    %get3A_1007 = arith.constant 4 : index
    %get3A_1008 = arith.constant 0 : index
    %get3A_1009 = arith.constant 0 : index
    %get3A_1010 = vector.load %arg12[%get3A_1006, %get3A_1007, %get3A_1008, %get3A_1009] : memref<2x8x128x256xf32, #tpu.memory_space<vmem>>, vector<1x1x128x256xf32>
    %get3A_1011 = vector.shape_cast %get3A_1010 : vector<1x1x128x256xf32> to vector<128x256xf32>
    %dot_general3A_1012 = arith.constant dense<0.000000e+00> : vector<2048x256xf32>
    %dot_general3A_1013 = tpu.matmul %add3A_698, %get3A_1011, %dot_general3A_1012 {dimension_numbers = #tpu.dot_dimension_numbers<[1], [0], [0], [1], [0, 0, 1, 1], [], []>, transpose_lhs_hint = false} : vector<2048x128xf32>, vector<128x256xf32>, vector<2048x256xf32> -> vector<2048x256xf32>
    %get3A_1014 = arith.constant 1 : index
    %get3A_1015 = arith.constant 4 : index
    %get3A_1016 = arith.constant 0 : index
    %get3A_1017 = arith.constant 0 : index
    %get3A_1018 = vector.load %arg13[%get3A_1014, %get3A_1015, %get3A_1016, %get3A_1017] : memref<2x8x1x256xf32, #tpu.memory_space<vmem>>, vector<1x1x1x256xf32>
    %get3A_1019 = vector.shape_cast %get3A_1018 : vector<1x1x1x256xf32> to vector<1x256xf32>
    %add3A_1020 = vector.broadcast %get3A_1019 : vector<1x256xf32> to vector<2048x256xf32>
    %add3A_1021 = arith.addf %dot_general3A_1013, %add3A_1020 : vector<2048x256xf32>
    %integer_pow3A_1022 = arith.mulf %add3A_1021, %add3A_1021 : vector<2048x256xf32>
    %integer_pow3A_1023 = arith.mulf %add3A_1021, %integer_pow3A_1022 : vector<2048x256xf32>
    %mul3A_1024 = arith.constant 4.471500e-02 : f32
    %mul3A_1025 = vector.broadcast %mul3A_1024 : f32 to vector<2048x256xf32>
    %mul3A_1026 = arith.mulf %mul3A_1025, %integer_pow3A_1023 : vector<2048x256xf32>
    %add3A_1027 = arith.addf %add3A_1021, %mul3A_1026 : vector<2048x256xf32>
    %mul3A_1028 = arith.constant 0.797884583 : f32
    %mul3A_1029 = vector.broadcast %mul3A_1028 : f32 to vector<2048x256xf32>
    %mul3A_1030 = arith.mulf %mul3A_1029, %add3A_1027 : vector<2048x256xf32>
    %tanh3A_1031 = math.tanh %mul3A_1030 : vector<2048x256xf32>
    %add3A_1032 = arith.constant 1.000000e+00 : f32
    %add3A_1033 = vector.broadcast %add3A_1032 : f32 to vector<2048x256xf32>
    %add3A_1034 = arith.addf %add3A_1033, %tanh3A_1031 : vector<2048x256xf32>
    %mul3A_1035 = arith.constant 5.000000e-01 : f32
    %mul3A_1036 = vector.broadcast %mul3A_1035 : f32 to vector<2048x256xf32>
    %mul3A_1037 = arith.mulf %mul3A_1036, %add3A_1034 : vector<2048x256xf32>
    %mul3A_1038 = arith.mulf %add3A_1021, %mul3A_1037 : vector<2048x256xf32>
    %get3A_1039 = arith.constant 1 : index
    %get3A_1040 = arith.constant 4 : index
    %get3A_1041 = arith.constant 0 : index
    %get3A_1042 = arith.constant 0 : index
    %get3A_1043 = vector.load %arg14[%get3A_1039, %get3A_1040, %get3A_1041, %get3A_1042] : memref<2x8x256x128xf32, #tpu.memory_space<vmem>>, vector<1x1x256x128xf32>
    %get3A_1044 = vector.shape_cast %get3A_1043 : vector<1x1x256x128xf32> to vector<256x128xf32>
    %dot_general3A_1045 = arith.constant dense<0.000000e+00> : vector<2048x128xf32>
    %dot_general3A_1046 = tpu.matmul %mul3A_1038, %get3A_1044, %dot_general3A_1045 {dimension_numbers = #tpu.dot_dimension_numbers<[1], [0], [0], [1], [0, 0, 1, 1], [], []>, transpose_lhs_hint = false} : vector<2048x256xf32>, vector<256x128xf32>, vector<2048x128xf32> -> vector<2048x128xf32>
    %get3A_1047 = arith.constant 1 : index
    %get3A_1048 = arith.constant 4 : index
    %get3A_1049 = arith.constant 0 : index
    %get3A_1050 = arith.constant 0 : index
    %get3A_1051 = vector.load %arg15[%get3A_1047, %get3A_1048, %get3A_1049, %get3A_1050] : memref<2x8x1x128xf32, #tpu.memory_space<vmem>>, vector<1x1x1x128xf32>
    %get3A_1052 = vector.shape_cast %get3A_1051 : vector<1x1x1x128xf32> to vector<1x128xf32>
    %add3A_1053 = vector.broadcast %get3A_1052 : vector<1x128xf32> to vector<2048x128xf32>
    %add3A_1054 = arith.addf %dot_general3A_1046, %add3A_1053 : vector<2048x128xf32>
    %slice3A_1055 = vector.extract_strided_slice %add3A_766 {offsets = [0, 4], sizes = [2048, 1], strides = [1, 1]} : vector<2048x8xf32> to vector<2048x1xf32>
    %mul3A_1056 = vector.broadcast %slice3A_1055 : vector<2048x1xf32> to vector<2048x128xf32>
    %mul3A_1057 = arith.mulf %add3A_1054, %mul3A_1056 : vector<2048x128xf32>
    %add3A_1058 = arith.addf %add3A_1005, %mul3A_1057 : vector<2048x128xf32>
    %get3A_1059 = arith.constant 1 : index
    %get3A_1060 = arith.constant 5 : index
    %get3A_1061 = arith.constant 0 : index
    %get3A_1062 = arith.constant 0 : index
    %get3A_1063 = vector.load %arg12[%get3A_1059, %get3A_1060, %get3A_1061, %get3A_1062] : memref<2x8x128x256xf32, #tpu.memory_space<vmem>>, vector<1x1x128x256xf32>
    %get3A_1064 = vector.shape_cast %get3A_1063 : vector<1x1x128x256xf32> to vector<128x256xf32>
    %dot_general3A_1065 = arith.constant dense<0.000000e+00> : vector<2048x256xf32>
    %dot_general3A_1066 = tpu.matmul %add3A_698, %get3A_1064, %dot_general3A_1065 {dimension_numbers = #tpu.dot_dimension_numbers<[1], [0], [0], [1], [0, 0, 1, 1], [], []>, transpose_lhs_hint = false} : vector<2048x128xf32>, vector<128x256xf32>, vector<2048x256xf32> -> vector<2048x256xf32>
    %get3A_1067 = arith.constant 1 : index
    %get3A_1068 = arith.constant 5 : index
    %get3A_1069 = arith.constant 0 : index
    %get3A_1070 = arith.constant 0 : index
    %get3A_1071 = vector.load %arg13[%get3A_1067, %get3A_1068, %get3A_1069, %get3A_1070] : memref<2x8x1x256xf32, #tpu.memory_space<vmem>>, vector<1x1x1x256xf32>
    %get3A_1072 = vector.shape_cast %get3A_1071 : vector<1x1x1x256xf32> to vector<1x256xf32>
    %add3A_1073 = vector.broadcast %get3A_1072 : vector<1x256xf32> to vector<2048x256xf32>
    %add3A_1074 = arith.addf %dot_general3A_1066, %add3A_1073 : vector<2048x256xf32>
    %integer_pow3A_1075 = arith.mulf %add3A_1074, %add3A_1074 : vector<2048x256xf32>
    %integer_pow3A_1076 = arith.mulf %add3A_1074, %integer_pow3A_1075 : vector<2048x256xf32>
    %mul3A_1077 = arith.constant 4.471500e-02 : f32
    %mul3A_1078 = vector.broadcast %mul3A_1077 : f32 to vector<2048x256xf32>
    %mul3A_1079 = arith.mulf %mul3A_1078, %integer_pow3A_1076 : vector<2048x256xf32>
    %add3A_1080 = arith.addf %add3A_1074, %mul3A_1079 : vector<2048x256xf32>
    %mul3A_1081 = arith.constant 0.797884583 : f32
    %mul3A_1082 = vector.broadcast %mul3A_1081 : f32 to vector<2048x256xf32>
    %mul3A_1083 = arith.mulf %mul3A_1082, %add3A_1080 : vector<2048x256xf32>
    %tanh3A_1084 = math.tanh %mul3A_1083 : vector<2048x256xf32>
    %add3A_1085 = arith.constant 1.000000e+00 : f32
    %add3A_1086 = vector.broadcast %add3A_1085 : f32 to vector<2048x256xf32>
    %add3A_1087 = arith.addf %add3A_1086, %tanh3A_1084 : vector<2048x256xf32>
    %mul3A_1088 = arith.constant 5.000000e-01 : f32
    %mul3A_1089 = vector.broadcast %mul3A_1088 : f32 to vector<2048x256xf32>
    %mul3A_1090 = arith.mulf %mul3A_1089, %add3A_1087 : vector<2048x256xf32>
    %mul3A_1091 = arith.mulf %add3A_1074, %mul3A_1090 : vector<2048x256xf32>
    %get3A_1092 = arith.constant 1 : index
    %get3A_1093 = arith.constant 5 : index
    %get3A_1094 = arith.constant 0 : index
    %get3A_1095 = arith.constant 0 : index
    %get3A_1096 = vector.load %arg14[%get3A_1092, %get3A_1093, %get3A_1094, %get3A_1095] : memref<2x8x256x128xf32, #tpu.memory_space<vmem>>, vector<1x1x256x128xf32>
    %get3A_1097 = vector.shape_cast %get3A_1096 : vector<1x1x256x128xf32> to vector<256x128xf32>
    %dot_general3A_1098 = arith.constant dense<0.000000e+00> : vector<2048x128xf32>
    %dot_general3A_1099 = tpu.matmul %mul3A_1091, %get3A_1097, %dot_general3A_1098 {dimension_numbers = #tpu.dot_dimension_numbers<[1], [0], [0], [1], [0, 0, 1, 1], [], []>, transpose_lhs_hint = false} : vector<2048x256xf32>, vector<256x128xf32>, vector<2048x128xf32> -> vector<2048x128xf32>
    %get3A_1100 = arith.constant 1 : index
    %get3A_1101 = arith.constant 5 : index
    %get3A_1102 = arith.constant 0 : index
    %get3A_1103 = arith.constant 0 : index
    %get3A_1104 = vector.load %arg15[%get3A_1100, %get3A_1101, %get3A_1102, %get3A_1103] : memref<2x8x1x128xf32, #tpu.memory_space<vmem>>, vector<1x1x1x128xf32>
    %get3A_1105 = vector.shape_cast %get3A_1104 : vector<1x1x1x128xf32> to vector<1x128xf32>
    %add3A_1106 = vector.broadcast %get3A_1105 : vector<1x128xf32> to vector<2048x128xf32>
    %add3A_1107 = arith.addf %dot_general3A_1099, %add3A_1106 : vector<2048x128xf32>
    %slice3A_1108 = vector.extract_strided_slice %add3A_766 {offsets = [0, 5], sizes = [2048, 1], strides = [1, 1]} : vector<2048x8xf32> to vector<2048x1xf32>
    %mul3A_1109 = vector.broadcast %slice3A_1108 : vector<2048x1xf32> to vector<2048x128xf32>
    %mul3A_1110 = arith.mulf %add3A_1107, %mul3A_1109 : vector<2048x128xf32>
    %add3A_1111 = arith.addf %add3A_1058, %mul3A_1110 : vector<2048x128xf32>
    %get3A_1112 = arith.constant 1 : index
    %get3A_1113 = arith.constant 6 : index
    %get3A_1114 = arith.constant 0 : index
    %get3A_1115 = arith.constant 0 : index
    %get3A_1116 = vector.load %arg12[%get3A_1112, %get3A_1113, %get3A_1114, %get3A_1115] : memref<2x8x128x256xf32, #tpu.memory_space<vmem>>, vector<1x1x128x256xf32>
    %get3A_1117 = vector.shape_cast %get3A_1116 : vector<1x1x128x256xf32> to vector<128x256xf32>
    %dot_general3A_1118 = arith.constant dense<0.000000e+00> : vector<2048x256xf32>
    %dot_general3A_1119 = tpu.matmul %add3A_698, %get3A_1117, %dot_general3A_1118 {dimension_numbers = #tpu.dot_dimension_numbers<[1], [0], [0], [1], [0, 0, 1, 1], [], []>, transpose_lhs_hint = false} : vector<2048x128xf32>, vector<128x256xf32>, vector<2048x256xf32> -> vector<2048x256xf32>
    %get3A_1120 = arith.constant 1 : index
    %get3A_1121 = arith.constant 6 : index
    %get3A_1122 = arith.constant 0 : index
    %get3A_1123 = arith.constant 0 : index
    %get3A_1124 = vector.load %arg13[%get3A_1120, %get3A_1121, %get3A_1122, %get3A_1123] : memref<2x8x1x256xf32, #tpu.memory_space<vmem>>, vector<1x1x1x256xf32>
    %get3A_1125 = vector.shape_cast %get3A_1124 : vector<1x1x1x256xf32> to vector<1x256xf32>
    %add3A_1126 = vector.broadcast %get3A_1125 : vector<1x256xf32> to vector<2048x256xf32>
    %add3A_1127 = arith.addf %dot_general3A_1119, %add3A_1126 : vector<2048x256xf32>
    %integer_pow3A_1128 = arith.mulf %add3A_1127, %add3A_1127 : vector<2048x256xf32>
    %integer_pow3A_1129 = arith.mulf %add3A_1127, %integer_pow3A_1128 : vector<2048x256xf32>
    %mul3A_1130 = arith.constant 4.471500e-02 : f32
    %mul3A_1131 = vector.broadcast %mul3A_1130 : f32 to vector<2048x256xf32>
    %mul3A_1132 = arith.mulf %mul3A_1131, %integer_pow3A_1129 : vector<2048x256xf32>
    %add3A_1133 = arith.addf %add3A_1127, %mul3A_1132 : vector<2048x256xf32>
    %mul3A_1134 = arith.constant 0.797884583 : f32
    %mul3A_1135 = vector.broadcast %mul3A_1134 : f32 to vector<2048x256xf32>
    %mul3A_1136 = arith.mulf %mul3A_1135, %add3A_1133 : vector<2048x256xf32>
    %tanh3A_1137 = math.tanh %mul3A_1136 : vector<2048x256xf32>
    %add3A_1138 = arith.constant 1.000000e+00 : f32
    %add3A_1139 = vector.broadcast %add3A_1138 : f32 to vector<2048x256xf32>
    %add3A_1140 = arith.addf %add3A_1139, %tanh3A_1137 : vector<2048x256xf32>
    %mul3A_1141 = arith.constant 5.000000e-01 : f32
    %mul3A_1142 = vector.broadcast %mul3A_1141 : f32 to vector<2048x256xf32>
    %mul3A_1143 = arith.mulf %mul3A_1142, %add3A_1140 : vector<2048x256xf32>
    %mul3A_1144 = arith.mulf %add3A_1127, %mul3A_1143 : vector<2048x256xf32>
    %get3A_1145 = arith.constant 1 : index
    %get3A_1146 = arith.constant 6 : index
    %get3A_1147 = arith.constant 0 : index
    %get3A_1148 = arith.constant 0 : index
    %get3A_1149 = vector.load %arg14[%get3A_1145, %get3A_1146, %get3A_1147, %get3A_1148] : memref<2x8x256x128xf32, #tpu.memory_space<vmem>>, vector<1x1x256x128xf32>
    %get3A_1150 = vector.shape_cast %get3A_1149 : vector<1x1x256x128xf32> to vector<256x128xf32>
    %dot_general3A_1151 = arith.constant dense<0.000000e+00> : vector<2048x128xf32>
    %dot_general3A_1152 = tpu.matmul %mul3A_1144, %get3A_1150, %dot_general3A_1151 {dimension_numbers = #tpu.dot_dimension_numbers<[1], [0], [0], [1], [0, 0, 1, 1], [], []>, transpose_lhs_hint = false} : vector<2048x256xf32>, vector<256x128xf32>, vector<2048x128xf32> -> vector<2048x128xf32>
    %get3A_1153 = arith.constant 1 : index
    %get3A_1154 = arith.constant 6 : index
    %get3A_1155 = arith.constant 0 : index
    %get3A_1156 = arith.constant 0 : index
    %get3A_1157 = vector.load %arg15[%get3A_1153, %get3A_1154, %get3A_1155, %get3A_1156] : memref<2x8x1x128xf32, #tpu.memory_space<vmem>>, vector<1x1x1x128xf32>
    %get3A_1158 = vector.shape_cast %get3A_1157 : vector<1x1x1x128xf32> to vector<1x128xf32>
    %add3A_1159 = vector.broadcast %get3A_1158 : vector<1x128xf32> to vector<2048x128xf32>
    %add3A_1160 = arith.addf %dot_general3A_1152, %add3A_1159 : vector<2048x128xf32>
    %slice3A_1161 = vector.extract_strided_slice %add3A_766 {offsets = [0, 6], sizes = [2048, 1], strides = [1, 1]} : vector<2048x8xf32> to vector<2048x1xf32>
    %mul3A_1162 = vector.broadcast %slice3A_1161 : vector<2048x1xf32> to vector<2048x128xf32>
    %mul3A_1163 = arith.mulf %add3A_1160, %mul3A_1162 : vector<2048x128xf32>
    %add3A_1164 = arith.addf %add3A_1111, %mul3A_1163 : vector<2048x128xf32>
    %get3A_1165 = arith.constant 1 : index
    %get3A_1166 = arith.constant 7 : index
    %get3A_1167 = arith.constant 0 : index
    %get3A_1168 = arith.constant 0 : index
    %get3A_1169 = vector.load %arg12[%get3A_1165, %get3A_1166, %get3A_1167, %get3A_1168] : memref<2x8x128x256xf32, #tpu.memory_space<vmem>>, vector<1x1x128x256xf32>
    %get3A_1170 = vector.shape_cast %get3A_1169 : vector<1x1x128x256xf32> to vector<128x256xf32>
    %dot_general3A_1171 = arith.constant dense<0.000000e+00> : vector<2048x256xf32>
    %dot_general3A_1172 = tpu.matmul %add3A_698, %get3A_1170, %dot_general3A_1171 {dimension_numbers = #tpu.dot_dimension_numbers<[1], [0], [0], [1], [0, 0, 1, 1], [], []>, transpose_lhs_hint = false} : vector<2048x128xf32>, vector<128x256xf32>, vector<2048x256xf32> -> vector<2048x256xf32>
    %get3A_1173 = arith.constant 1 : index
    %get3A_1174 = arith.constant 7 : index
    %get3A_1175 = arith.constant 0 : index
    %get3A_1176 = arith.constant 0 : index
    %get3A_1177 = vector.load %arg13[%get3A_1173, %get3A_1174, %get3A_1175, %get3A_1176] : memref<2x8x1x256xf32, #tpu.memory_space<vmem>>, vector<1x1x1x256xf32>
    %get3A_1178 = vector.shape_cast %get3A_1177 : vector<1x1x1x256xf32> to vector<1x256xf32>
    %add3A_1179 = vector.broadcast %get3A_1178 : vector<1x256xf32> to vector<2048x256xf32>
    %add3A_1180 = arith.addf %dot_general3A_1172, %add3A_1179 : vector<2048x256xf32>
    %integer_pow3A_1181 = arith.mulf %add3A_1180, %add3A_1180 : vector<2048x256xf32>
    %integer_pow3A_1182 = arith.mulf %add3A_1180, %integer_pow3A_1181 : vector<2048x256xf32>
    %mul3A_1183 = arith.constant 4.471500e-02 : f32
    %mul3A_1184 = vector.broadcast %mul3A_1183 : f32 to vector<2048x256xf32>
    %mul3A_1185 = arith.mulf %mul3A_1184, %integer_pow3A_1182 : vector<2048x256xf32>
    %add3A_1186 = arith.addf %add3A_1180, %mul3A_1185 : vector<2048x256xf32>
    %mul3A_1187 = arith.constant 0.797884583 : f32
    %mul3A_1188 = vector.broadcast %mul3A_1187 : f32 to vector<2048x256xf32>
    %mul3A_1189 = arith.mulf %mul3A_1188, %add3A_1186 : vector<2048x256xf32>
    %tanh3A_1190 = math.tanh %mul3A_1189 : vector<2048x256xf32>
    %add3A_1191 = arith.constant 1.000000e+00 : f32
    %add3A_1192 = vector.broadcast %add3A_1191 : f32 to vector<2048x256xf32>
    %add3A_1193 = arith.addf %add3A_1192, %tanh3A_1190 : vector<2048x256xf32>
    %mul3A_1194 = arith.constant 5.000000e-01 : f32
    %mul3A_1195 = vector.broadcast %mul3A_1194 : f32 to vector<2048x256xf32>
    %mul3A_1196 = arith.mulf %mul3A_1195, %add3A_1193 : vector<2048x256xf32>
    %mul3A_1197 = arith.mulf %add3A_1180, %mul3A_1196 : vector<2048x256xf32>
    %get3A_1198 = arith.constant 1 : index
    %get3A_1199 = arith.constant 7 : index
    %get3A_1200 = arith.constant 0 : index
    %get3A_1201 = arith.constant 0 : index
    %get3A_1202 = vector.load %arg14[%get3A_1198, %get3A_1199, %get3A_1200, %get3A_1201] : memref<2x8x256x128xf32, #tpu.memory_space<vmem>>, vector<1x1x256x128xf32>
    %get3A_1203 = vector.shape_cast %get3A_1202 : vector<1x1x256x128xf32> to vector<256x128xf32>
    %dot_general3A_1204 = arith.constant dense<0.000000e+00> : vector<2048x128xf32>
    %dot_general3A_1205 = tpu.matmul %mul3A_1197, %get3A_1203, %dot_general3A_1204 {dimension_numbers = #tpu.dot_dimension_numbers<[1], [0], [0], [1], [0, 0, 1, 1], [], []>, transpose_lhs_hint = false} : vector<2048x256xf32>, vector<256x128xf32>, vector<2048x128xf32> -> vector<2048x128xf32>
    %get3A_1206 = arith.constant 1 : index
    %get3A_1207 = arith.constant 7 : index
    %get3A_1208 = arith.constant 0 : index
    %get3A_1209 = arith.constant 0 : index
    %get3A_1210 = vector.load %arg15[%get3A_1206, %get3A_1207, %get3A_1208, %get3A_1209] : memref<2x8x1x128xf32, #tpu.memory_space<vmem>>, vector<1x1x1x128xf32>
    %get3A_1211 = vector.shape_cast %get3A_1210 : vector<1x1x1x128xf32> to vector<1x128xf32>
    %add3A_1212 = vector.broadcast %get3A_1211 : vector<1x128xf32> to vector<2048x128xf32>
    %add3A_1213 = arith.addf %dot_general3A_1205, %add3A_1212 : vector<2048x128xf32>
    %slice3A_1214 = vector.extract_strided_slice %add3A_766 {offsets = [0, 7], sizes = [2048, 1], strides = [1, 1]} : vector<2048x8xf32> to vector<2048x1xf32>
    %mul3A_1215 = vector.broadcast %slice3A_1214 : vector<2048x1xf32> to vector<2048x128xf32>
    %mul3A_1216 = arith.mulf %add3A_1213, %mul3A_1215 : vector<2048x128xf32>
    %add3A_1217 = arith.addf %add3A_1164, %mul3A_1216 : vector<2048x128xf32>
    %add3A_1218 = arith.addf %add3A_698, %add3A_1217 : vector<2048x128xf32>
    %get3A_1219 = arith.constant 1 : index
    %get3A_1220 = arith.constant 0 : index
    %get3A_1221 = arith.constant 0 : index
    %get3A_1222 = vector.load %arg9[%get3A_1219, %get3A_1220, %get3A_1221] : memref<2x1x128xf32, #tpu.memory_space<vmem>>, vector<1x1x128xf32>
    %get3A_1223 = vector.shape_cast %get3A_1222 : vector<1x1x128xf32> to vector<1x128xf32>
    %get3A_1224 = arith.constant 1 : index
    %get3A_1225 = arith.constant 0 : index
    %get3A_1226 = arith.constant 0 : index
    %get3A_1227 = vector.load %arg10[%get3A_1224, %get3A_1225, %get3A_1226] : memref<2x1x128xf32, #tpu.memory_space<vmem>>, vector<1x1x128xf32>
    %get3A_1228 = vector.shape_cast %get3A_1227 : vector<1x1x128xf32> to vector<1x128xf32>
    %reduce_sum3A_1229 = arith.constant dense<0.000000e+00> : vector<2048xf32>
    %reduce_sum3A_1230 = vector.multi_reduction <add>, %add3A_1218, %reduce_sum3A_1229 [1] : vector<2048x128xf32> to vector<2048xf32>
    %broadcast_in_dim3A_1231 = vector.shape_cast %reduce_sum3A_1230 : vector<2048xf32> to vector<2048x1xf32>
    %div3A_1232 = arith.constant 1.280000e+02 : f32
    %div3A_1233 = vector.broadcast %div3A_1232 : f32 to vector<2048x1xf32>
    %div3A_1234 = arith.divf %broadcast_in_dim3A_1231, %div3A_1233 : vector<2048x1xf32>
    %jit3A_1235 = arith.constant 0 : i32
    %reduce_sum3A_1236 = arith.constant dense<0.000000e+00> : vector<2048xf32>
    %reduce_sum3A_1237 = vector.multi_reduction <add>, %add3A_1218, %reduce_sum3A_1236 [1] : vector<2048x128xf32> to vector<2048xf32>
    %broadcast_in_dim3A_1238 = vector.shape_cast %reduce_sum3A_1237 : vector<2048xf32> to vector<2048x1xf32>
    %div3A_1239 = arith.constant 1.280000e+02 : f32
    %div3A_1240 = vector.broadcast %div3A_1239 : f32 to vector<2048x1xf32>
    %div3A_1241 = arith.divf %broadcast_in_dim3A_1238, %div3A_1240 : vector<2048x1xf32>
    %sub3A_1242 = vector.broadcast %div3A_1241 : vector<2048x1xf32> to vector<2048x128xf32>
    %sub3A_1243 = arith.subf %add3A_1218, %sub3A_1242 : vector<2048x128xf32>
    %square3A_1244 = arith.mulf %sub3A_1243, %sub3A_1243 : vector<2048x128xf32>
    %convert_element_type3A_1245 = arith.sitofp %jit3A_1235 : i32 to f32
    %sub3A_1246 = arith.constant 1.280000e+02 : f32
    %sub3A_1247 = arith.subf %sub3A_1246, %convert_element_type3A_1245 : f32
    %reduce_sum3A_1248 = arith.constant dense<0.000000e+00> : vector<2048xf32>
    %reduce_sum3A_1249 = vector.multi_reduction <add>, %square3A_1244, %reduce_sum3A_1248 [1] : vector<2048x128xf32> to vector<2048xf32>
    %broadcast_in_dim3A_1250 = vector.shape_cast %reduce_sum3A_1249 : vector<2048xf32> to vector<2048x1xf32>
    %div3A_1251 = vector.broadcast %sub3A_1247 : f32 to vector<2048x1xf32>
    %div3A_1252 = arith.divf %broadcast_in_dim3A_1250, %div3A_1251 : vector<2048x1xf32>
    %gt3A_1253 = arith.constant 0.000000e+00 : f32
    %gt3A_1254 = arith.cmpf ogt, %sub3A_1247, %gt3A_1253 : f32
    %jit3A_1255 = arith.constant 0x7FC00000 : f32
    %broadcast_in_dim3A_1256 = vector.broadcast %jit3A_1255 : f32 to vector<2048x1xf32>
    %select_n3A_1257 = arith.select %gt3A_1254, %div3A_1252, %broadcast_in_dim3A_1256 : vector<2048x1xf32>
    %sub3A_1258 = vector.broadcast %div3A_1234 : vector<2048x1xf32> to vector<2048x128xf32>
    %sub3A_1259 = arith.subf %add3A_1218, %sub3A_1258 : vector<2048x128xf32>
    %add3A_1260 = arith.constant 9.99999974E-6 : f32
    %add3A_1261 = vector.broadcast %add3A_1260 : f32 to vector<2048x1xf32>
    %add3A_1262 = arith.addf %select_n3A_1257, %add3A_1261 : vector<2048x1xf32>
    %sqrt3A_1263 = math.sqrt %add3A_1262 : vector<2048x1xf32>
    %div3A_1264 = vector.broadcast %sqrt3A_1263 : vector<2048x1xf32> to vector<2048x128xf32>
    %div3A_1265 = arith.divf %sub3A_1259, %div3A_1264 : vector<2048x128xf32>
    %mul3A_1266 = vector.broadcast %get3A_1223 : vector<1x128xf32> to vector<2048x128xf32>
    %mul3A_1267 = arith.mulf %div3A_1265, %mul3A_1266 : vector<2048x128xf32>
    %add3A_1268 = vector.broadcast %get3A_1228 : vector<1x128xf32> to vector<2048x128xf32>
    %add3A_1269 = arith.addf %mul3A_1267, %add3A_1268 : vector<2048x128xf32>
    %get3A_1270 = arith.constant 0 : index
    %get3A_1271 = arith.constant 0 : index
    %get3A_1272 = vector.load %arg16[%get3A_1270, %get3A_1271] : memref<128x256xf32, #tpu.memory_space<vmem>>, vector<128x256xf32>
    %dot_general3A_1273 = arith.constant dense<0.000000e+00> : vector<2048x256xf32>
    %dot_general3A_1274 = tpu.matmul %add3A_1269, %get3A_1272, %dot_general3A_1273 {dimension_numbers = #tpu.dot_dimension_numbers<[1], [0], [0], [1], [0, 0, 1, 1], [], []>, transpose_lhs_hint = false} : vector<2048x128xf32>, vector<128x256xf32>, vector<2048x256xf32> -> vector<2048x256xf32>
    %get3A_1275 = arith.constant 0 : index
    %get3A_1276 = arith.constant 0 : index
    %get3A_1277 = vector.load %arg17[%get3A_1275, %get3A_1276] : memref<1x256xf32, #tpu.memory_space<vmem>>, vector<1x256xf32>
    %add3A_1278 = vector.broadcast %get3A_1277 : vector<1x256xf32> to vector<2048x256xf32>
    %add3A_1279 = arith.addf %dot_general3A_1274, %add3A_1278 : vector<2048x256xf32>
    %integer_pow3A_1280 = arith.mulf %add3A_1279, %add3A_1279 : vector<2048x256xf32>
    %integer_pow3A_1281 = arith.mulf %add3A_1279, %integer_pow3A_1280 : vector<2048x256xf32>
    %mul3A_1282 = arith.constant 4.471500e-02 : f32
    %mul3A_1283 = vector.broadcast %mul3A_1282 : f32 to vector<2048x256xf32>
    %mul3A_1284 = arith.mulf %mul3A_1283, %integer_pow3A_1281 : vector<2048x256xf32>
    %add3A_1285 = arith.addf %add3A_1279, %mul3A_1284 : vector<2048x256xf32>
    %mul3A_1286 = arith.constant 0.797884583 : f32
    %mul3A_1287 = vector.broadcast %mul3A_1286 : f32 to vector<2048x256xf32>
    %mul3A_1288 = arith.mulf %mul3A_1287, %add3A_1285 : vector<2048x256xf32>
    %tanh3A_1289 = math.tanh %mul3A_1288 : vector<2048x256xf32>
    %add3A_1290 = arith.constant 1.000000e+00 : f32
    %add3A_1291 = vector.broadcast %add3A_1290 : f32 to vector<2048x256xf32>
    %add3A_1292 = arith.addf %add3A_1291, %tanh3A_1289 : vector<2048x256xf32>
    %mul3A_1293 = arith.constant 5.000000e-01 : f32
    %mul3A_1294 = vector.broadcast %mul3A_1293 : f32 to vector<2048x256xf32>
    %mul3A_1295 = arith.mulf %mul3A_1294, %add3A_1292 : vector<2048x256xf32>
    %mul3A_1296 = arith.mulf %add3A_1279, %mul3A_1295 : vector<2048x256xf32>
    %get3A_1297 = arith.constant 0 : index
    %get3A_1298 = arith.constant 0 : index
    %get3A_1299 = vector.load %arg18[%get3A_1297, %get3A_1298] : memref<256x2xf32, #tpu.memory_space<vmem>>, vector<256x2xf32>
    %dot_general3A_1300 = arith.constant dense<0.000000e+00> : vector<2048x2xf32>
    %dot_general3A_1301 = tpu.matmul %mul3A_1296, %get3A_1299, %dot_general3A_1300 {dimension_numbers = #tpu.dot_dimension_numbers<[1], [0], [0], [1], [0, 0, 1, 1], [], []>, transpose_lhs_hint = false} : vector<2048x256xf32>, vector<256x2xf32>, vector<2048x2xf32> -> vector<2048x2xf32>
    %get3A_1302 = arith.constant 0 : index
    %get3A_1303 = arith.constant 0 : index
    %get3A_1304 = vector.load %arg19[%get3A_1302, %get3A_1303] : memref<1x2xf32, #tpu.memory_space<vmem>>, vector<1x2xf32>
    %add3A_1305 = vector.broadcast %get3A_1304 : vector<1x2xf32> to vector<2048x2xf32>
    %add3A_1306 = arith.addf %dot_general3A_1301, %add3A_1305 : vector<2048x2xf32>
    %swap3A_1307 = arith.constant 0 : index
    %swap3A_1308 = arith.constant 0 : index
    %swap3A_1309 = vector.load %arg20[%swap3A_1307, %swap3A_1308] : memref<2048x2xf32, #tpu.memory_space<vmem>>, vector<2048x2xf32>
    tpu.vector_store %arg20[%swap3A_1307, %swap3A_1308], %add3A_1306 {strides = array<i32>} : memref<2048x2xf32, #tpu.memory_space<vmem>>, vector<2048x2xf32>,
    %eq3A_1310 = arith.constant 1 : i32
    %eq3A_1311 = arith.cmpi eq, %arg0, %eq3A_1310 : i32
    %convert_element_type3A_1312 = arith.extui %eq3A_1311 : i1 to i32
    %cond3A_1313 = arith.constant 0 : i32
    %cond3A_1314 = arith.cmpi ne, %convert_element_type3A_1312, %cond3A_1313 : i32
    scf.if %cond3A_1314 {
      %get3A_1315 = arith.constant 0 : index
      %get3A_1316 = arith.constant 0 : index
      %get3A_1317 = vector.load %arg22[%get3A_1315, %get3A_1316] : memref<4x8xf32, #tpu.memory_space<vmem>>, vector<1x8xf32>
      %get3A_1318 = arith.constant 1 : index
      %get3A_1319 = arith.constant 0 : index
      %get3A_1320 = vector.load %arg22[%get3A_1318, %get3A_1319] : memref<4x8xf32, #tpu.memory_space<vmem>>, vector<1x8xf32>
      %mul3A_1321 = arith.mulf %get3A_1317, %get3A_1320 : vector<1x8xf32>
      %reduce_sum3A_1322 = vector.shape_cast %mul3A_1321 : vector<1x8xf32> to vector<1x1x8xf32>
      %reduce_sum3A_1323 = arith.constant dense<0.000000e+00> : vector<1xf32>
      %reduce_sum3A_1324 = vector.multi_reduction <add>, %reduce_sum3A_1322, %reduce_sum3A_1323 [1, 2] : vector<1x1x8xf32> to vector<1xf32>
      %reduce_sum3A_1325 = vector.shape_cast %reduce_sum3A_1324 : vector<1xf32> to vector<1x1x1xf32>
      %reduce_sum3A_1326 = vector.extract %reduce_sum3A_1325[0, 0, 0] : f32 from vector<1x1x1xf32>
      %mul3A_1327 = arith.constant 4.76837158E-7 : f32
      %mul3A_1328 = arith.mulf %reduce_sum3A_1326, %mul3A_1327 : f32
      %get3A_1329 = arith.constant 2 : index
      %get3A_1330 = arith.constant 0 : index
      %get3A_1331 = vector.load %arg22[%get3A_1329, %get3A_1330] : memref<4x8xf32, #tpu.memory_space<vmem>>, vector<1x8xf32>
      %get3A_1332 = arith.constant 3 : index
      %get3A_1333 = arith.constant 0 : index
      %get3A_1334 = vector.load %arg22[%get3A_1332, %get3A_1333] : memref<4x8xf32, #tpu.memory_space<vmem>>, vector<1x8xf32>
      %mul3A_1335 = arith.mulf %get3A_1331, %get3A_1334 : vector<1x8xf32>
      %reduce_sum3A_1336 = vector.shape_cast %mul3A_1335 : vector<1x8xf32> to vector<1x1x8xf32>
      %reduce_sum3A_1337 = arith.constant dense<0.000000e+00> : vector<1xf32>
      %reduce_sum3A_1338 = vector.multi_reduction <add>, %reduce_sum3A_1336, %reduce_sum3A_1337 [1, 2] : vector<1x1x8xf32> to vector<1xf32>
      %reduce_sum3A_1339 = vector.shape_cast %reduce_sum3A_1338 : vector<1xf32> to vector<1x1x1xf32>
      %reduce_sum3A_1340 = vector.extract %reduce_sum3A_1339[0, 0, 0] : f32 from vector<1x1x1xf32>
      %mul3A_1341 = arith.constant 4.76837158E-7 : f32
      %mul3A_1342 = arith.mulf %reduce_sum3A_1340, %mul3A_1341 : f32
      %broadcast_in_dim3A_1343 = vector.broadcast %mul3A_1328 : f32 to vector<1x1xf32>
      %broadcast_in_dim3A_1344 = vector.broadcast %mul3A_1342 : f32 to vector<1x1xf32>
      %concatenate3A_1345 = tpu.concatenate %broadcast_in_dim3A_1343, %broadcast_in_dim3A_1344 in 1 : vector<1x1xf32>, vector<1x1xf32> -> vector<1x2xf32>
      %swap3A_1346 = arith.constant 0 : index
      %swap3A_1347 = arith.constant 0 : index
      %swap3A_1348 = vector.load %arg21[%swap3A_1346, %swap3A_1347] : memref<1x2xf32, #tpu.memory_space<vmem>>, vector<1x2xf32>
      tpu.vector_store %arg21[%swap3A_1346, %swap3A_1347], %concatenate3A_1345 {strides = array<i32>} : memref<1x2xf32, #tpu.memory_space<vmem>>, vector<1x2xf32>,
    } else {
    }
    return
  }
  func.func @transform_0(%arg0: i32) -> (i32, i32) {
    %c0_i32 = arith.constant 0 : i32
    %c0_i32_0 = arith.constant 0 : i32
    return %arg0, %c0_i32 : i32, i32
  }
  func.func @transform_1(%arg0: i32) -> (i32, i32) {
    %c0_i32 = arith.constant 0 : i32
    %c0_i32_0 = arith.constant 0 : i32
    return %arg0, %c0_i32 : i32, i32
  }
  func.func @transform_2(%arg0: i32) -> (i32, i32) {
    %c0_i32 = arith.constant 0 : i32
    %c0_i32_0 = arith.constant 0 : i32
    %c0_i32_1 = arith.constant 0 : i32
    return %c0_i32, %c0_i32_0 : i32, i32
  }
  func.func @transform_3(%arg0: i32) -> (i32, i32) {
    %c0_i32 = arith.constant 0 : i32
    %c0_i32_0 = arith.constant 0 : i32
    %c0_i32_1 = arith.constant 0 : i32
    return %c0_i32, %c0_i32_0 : i32, i32
  }
  func.func @transform_4(%arg0: i32) -> (i32, i32, i32) {
    %c0_i32 = arith.constant 0 : i32
    %c0_i32_0 = arith.constant 0 : i32
    %c0_i32_1 = arith.constant 0 : i32
    %c0_i32_2 = arith.constant 0 : i32
    return %c0_i32, %c0_i32_0, %c0_i32_1 : i32, i32, i32
  }
  func.func @transform_5(%arg0: i32) -> (i32, i32, i32) {
    %c0_i32 = arith.constant 0 : i32
    %c0_i32_0 = arith.constant 0 : i32
    %c0_i32_1 = arith.constant 0 : i32
    %c0_i32_2 = arith.constant 0 : i32
    return %c0_i32, %c0_i32_0, %c0_i32_1 : i32, i32, i32
  }
  func.func @transform_6(%arg0: i32) -> (i32, i32, i32) {
    %c0_i32 = arith.constant 0 : i32
    %c0_i32_0 = arith.constant 0 : i32
    %c0_i32_1 = arith.constant 0 : i32
    %c0_i32_2 = arith.constant 0 : i32
    return %c0_i32, %c0_i32_0, %c0_i32_1 : i32, i32, i32
  }
  func.func @transform_7(%arg0: i32) -> (i32, i32, i32) {
    %c0_i32 = arith.constant 0 : i32
    %c0_i32_0 = arith.constant 0 : i32
    %c0_i32_1 = arith.constant 0 : i32
    %c0_i32_2 = arith.constant 0 : i32
    return %c0_i32, %c0_i32_0, %c0_i32_1 : i32, i32, i32
  }
  func.func @transform_8(%arg0: i32) -> (i32, i32, i32) {
    %c0_i32 = arith.constant 0 : i32
    %c0_i32_0 = arith.constant 0 : i32
    %c0_i32_1 = arith.constant 0 : i32
    %c0_i32_2 = arith.constant 0 : i32
    return %c0_i32, %c0_i32_0, %c0_i32_1 : i32, i32, i32
  }
  func.func @transform_9(%arg0: i32) -> (i32, i32, i32) {
    %c0_i32 = arith.constant 0 : i32
    %c0_i32_0 = arith.constant 0 : i32
    %c0_i32_1 = arith.constant 0 : i32
    %c0_i32_2 = arith.constant 0 : i32
    return %c0_i32, %c0_i32_0, %c0_i32_1 : i32, i32, i32
  }
  func.func @transform_10(%arg0: i32) -> (i32, i32, i32) {
    %c0_i32 = arith.constant 0 : i32
    %c0_i32_0 = arith.constant 0 : i32
    %c0_i32_1 = arith.constant 0 : i32
    %c0_i32_2 = arith.constant 0 : i32
    return %c0_i32, %c0_i32_0, %c0_i32_1 : i32, i32, i32
  }
  func.func @transform_11(%arg0: i32) -> (i32, i32, i32, i32) {
    %c0_i32 = arith.constant 0 : i32
    %c0_i32_0 = arith.constant 0 : i32
    %c0_i32_1 = arith.constant 0 : i32
    %c0_i32_2 = arith.constant 0 : i32
    %c0_i32_3 = arith.constant 0 : i32
    return %c0_i32, %c0_i32_0, %c0_i32_1, %c0_i32_2 : i32, i32, i32, i32
  }
  func.func @transform_12(%arg0: i32) -> (i32, i32, i32, i32) {
    %c0_i32 = arith.constant 0 : i32
    %c0_i32_0 = arith.constant 0 : i32
    %c0_i32_1 = arith.constant 0 : i32
    %c0_i32_2 = arith.constant 0 : i32
    %c0_i32_3 = arith.constant 0 : i32
    return %c0_i32, %c0_i32_0, %c0_i32_1, %c0_i32_2 : i32, i32, i32, i32
  }
  func.func @transform_13(%arg0: i32) -> (i32, i32, i32, i32) {
    %c0_i32 = arith.constant 0 : i32
    %c0_i32_0 = arith.constant 0 : i32
    %c0_i32_1 = arith.constant 0 : i32
    %c0_i32_2 = arith.constant 0 : i32
    %c0_i32_3 = arith.constant 0 : i32
    return %c0_i32, %c0_i32_0, %c0_i32_1, %c0_i32_2 : i32, i32, i32, i32
  }
  func.func @transform_14(%arg0: i32) -> (i32, i32, i32, i32) {
    %c0_i32 = arith.constant 0 : i32
    %c0_i32_0 = arith.constant 0 : i32
    %c0_i32_1 = arith.constant 0 : i32
    %c0_i32_2 = arith.constant 0 : i32
    %c0_i32_3 = arith.constant 0 : i32
    return %c0_i32, %c0_i32_0, %c0_i32_1, %c0_i32_2 : i32, i32, i32, i32
  }
  func.func @transform_15(%arg0: i32) -> (i32, i32) {
    %c0_i32 = arith.constant 0 : i32
    %c0_i32_0 = arith.constant 0 : i32
    %c0_i32_1 = arith.constant 0 : i32
    return %c0_i32, %c0_i32_0 : i32, i32
  }
  func.func @transform_16(%arg0: i32) -> (i32, i32) {
    %c0_i32 = arith.constant 0 : i32
    %c0_i32_0 = arith.constant 0 : i32
    %c0_i32_1 = arith.constant 0 : i32
    return %c0_i32, %c0_i32_0 : i32, i32
  }
  func.func @transform_17(%arg0: i32) -> (i32, i32) {
    %c0_i32 = arith.constant 0 : i32
    %c0_i32_0 = arith.constant 0 : i32
    %c0_i32_1 = arith.constant 0 : i32
    return %c0_i32, %c0_i32_0 : i32, i32
  }
  func.func @transform_18(%arg0: i32) -> (i32, i32) {
    %c0_i32 = arith.constant 0 : i32
    %c0_i32_0 = arith.constant 0 : i32
    %c0_i32_1 = arith.constant 0 : i32
    return %c0_i32, %c0_i32_0 : i32, i32
  }
  func.func @transform_19(%arg0: i32) -> (i32, i32) {
    %c0_i32 = arith.constant 0 : i32
    %c0_i32_0 = arith.constant 0 : i32
    return %arg0, %c0_i32 : i32, i32
  }
  func.func @transform_20(%arg0: i32) -> (i32, i32) {
    %c0_i32 = arith.constant 0 : i32
    %c0_i32_0 = arith.constant 0 : i32
    %c0_i32_1 = arith.constant 0 : i32
    return %c0_i32, %c0_i32_0 : i32, i32
  }
}

</mosaic_0001>

<sc_bundles>
// kernel: kernel.4.cloned.1.call-start
scs
__scs_entry_jumppad:
0x0: {  	(pc) =	sbr.rel $0x88, $3  }
0x1: {  	(tag) =	ssettag $0x0;
	lr =	simm.s32 $0x1  }
0x2: {  	[smem:$0x3F8D] =	sst lr;
	_ =	strace $0xD0000000  }
0x3: {  	_ = 	snop  }
0x4: {  	_ = 	snop  }
0x5: {  	_ = 	snop  }
0x6: {  	_ = 	snop  }
0x7: {  	_ = 	snop  }
__scs_overlays_trampoline_lowered:
0x8: {  	[smem:$0x3F9C] =	sst s0  }
0x9: {  	[smem:$0x3F9D] =	sst s1  }
0xa: {  	[smem:$0x3F9E] =	sst s2  }
0xb: {  	[smem:$0x3F9F] =	sst s3  }
0xc: {  	[smem:$0x3FA0] =	sst s4  }
0xd: {  	[smem:$0x3FA1] =	sst s5  }
0xe: {  	[smem:$0x3FA2] =	sst s6  }
0xf: {  	[smem:$0x3FA3] =	sst s7  }
0x10: {  	[smem:$0x3FA4] =	sst s8  }
0x11: {  	[smem:$0x3FA5] =	sst s9;
	s0 =	simm.s32 @!p0 $0x0  }
0x12: {  	s1 =	sld [smem:$0x3F8B];
	s0 =	simm.s32 @p0 $0x1  }
0x13: {  	[smem:$0x3FA6] =	sst s0;
	s0 =	simm.s32 @!p1 $0x0  }
0x14: {  	s2 =	sld [smem:$0x3F8A];
	s0 =	simm.s32 @p1 $0x1  }
0x15: {  	[smem:$0x3FA7] =	sst s0;
	s0 =	simm.s32 @!p2 $0x0  }
0x16: {  	s3 =	sld [smem:$0x3FDB];
	s0 =	simm.s32 @p2 $0x1  }
0x17: {  	s4 =	simm.s32 $0x1BF5;
	[smem:$0x3FA9] =	sst s0  }
0x18: {  	s0 =	sld [smem:$0x3F8C];
	_ =	swait.ge [sflag:s4], $0x0  }
0x19: {  	s7 =	sld [smem:$0x3F8D]  }
0x1a: {  	s8 =	sadd.s32 $0xFFFFE003, lr  }
0x1b: {  	s9 =	sadd.s32 $0xFFFFFEF7, lr;
	s5 =	simm.s32 $0xFFFFFFFF;
	p2 =	slt.u32 s8, $0xFFFFF086  }
0x1c: {  	p1 =	slt.u32 s9, $0xF7A;
	s5 =	simm.s32 @!p2 $0x0  }
0x1d: {  	s5 =	simm.s32 @p1 $0x1;
	p0 =	seq.s32 s7, s2  }
0x1e: {  	s7 =	smul.u32 @!p0 $0xF7A, s2;
	p2 =	seq.s32 @!p0 s5, $0x0  }
0x1f: {  	s9 =	smul.u32 $0xF7A, s1;
	s8 =	simm.s32 @!p0 $0x1BF5;
	p2 =	por !p2, p0  }
0x20: {  	[sflag:s8] =	ssyncset.s32 @!p0 $0xFFFFF086;
	s6 =	sadd.s32 @!p0 s3, s7;
	s7 =	simm.s32 @!p0 $0x108  }
0x21: {  	s3 =	sadd.s32 s3, s9;
	s6 =	sadd.s32 @!p0 $0x88, s6;
	s7 =	simm.s32 @p2 $0x1082  }
0x22: {  	[simem:s7], [sflag:s8] =	dma.local @!p0 [hbm:s6], $0xF7A  }
0x23: {  	s9 =	sor.u32 $0xD0000000, s2;
	s6 =	simm.s32 $0x108;
	_ =	swait.ge @!p0 [sflag:s8], $0x0  }
0x24: {  	s3 =	sadd.s32 $0x88, s3;
	s6 =	simm.s32 @!p1 $0x1082;
	[sflag:s4] =	ssyncset.s32 $0xFFFFF086  }
0x25: {  	[simem:s6], [sflag:s4] =	dma.local [hbm:s3], $0xF7A  }
0x26: {  	[smem:$0x3F8D] =	sst s1;
	(tag) =	ssettag s2;
	_ =	strace s9  }
0x27: {  	s1 =	sld [smem:$0x3F9D]  }
0x28: {  	s2 =	sld [smem:$0x3F9E]  }
0x29: {  	s4 =	sld [smem:$0x3FA0]  }
0x2a: {  	p0 =	seq.s32 s5, $0x0;
	s5 =	sld [smem:$0x3FA1]  }
0x2b: {  	s6 =	sld [smem:$0x3FA2]  }
0x2c: {  	s7 =	sld [smem:$0x3FA3]  }
0x2d: {  	s3 =	simm.s32 $0x108;
	s8 =	sld [smem:$0x3FA4]  }
0x2e: {  	s3 =	simm.s32 @!p0 $0x1082;
	s9 =	sld [smem:$0x3FA5]  }
0x2f: {  	lr =	sadd.s32 s0, s3;
	s0 =	sld [smem:$0x3F9C]  }
0x30: {  	s3 =	sld [smem:$0x3F9F]  }
0x31: {  	[smem:$0x3FA8] =	sst s10  }
0x32: {  	s10 =	sld [smem:$0x3FA6];
	_ =	sdelay $0x3  }
0x33: {  	p0 =	seq.s32 s10, $0x1;
	s10 =	sld [smem:$0x3FA8];
	_ =	sdelay $0x3  }
0x34: {  	[smem:$0x3FA8] =	sst s10  }
0x35: {  	s10 =	sld [smem:$0x3FA7];
	_ =	sdelay $0x3  }
0x36: {  	p1 =	seq.s32 s10, $0x1;
	s10 =	sld [smem:$0x3FA8];
	_ =	sdelay $0x3  }
0x37: {  	[smem:$0x3FA8] =	sst s10  }
0x38: {  	s10 =	sld [smem:$0x3FA9]  }
0x39: {  	_ = 	snop;
	(pc) =	sbr.ind lr, $3  }
0x3a: {  	_ = 	snop  }
0x3b: {  	_ = 	snop  }
0x3c: {  	p2 =	seq.s32 s10, $0x1;
	s10 =	sld [smem:$0x3FA8]  }
0x3d: {  	_ =	shalt  }
0x3e: {  	_ =	shalt  }
0x3f: {  	_ =	shalt  }
0x40: {  	_ =	shalt  }
0x41: {  	_ =	shalt  }
0x42: {  	_ =	shalt  }
0x43: {  	_ =	shalt  }
0x44: {  	_ =	shalt  }
0x45: {  	_ =	shalt  }
0x46: {  	_ =	shalt  }
0x47: {  	_ =	shalt  }
0x48: {  	_ =	shalt  }
0x49: {  	_ =	shalt  }
0x4a: {  	_ =	shalt  }
0x4b: {  	_ =	shalt  }
0x4c: {  	_ =	shalt  }
0x4d: {  	_ =	shalt  }
0x4e: {  	_ =	shalt  }
0x4f: {  	_ =	shalt  }
0x50: {  	_ =	shalt  }
0x51: {  	_ =	shalt  }
0x52: {  	_ =	shalt  }
0x53: {  	_ =	shalt  }
0x54: {  	_ =	shalt  }
0x55: {  	_ =	shalt  }
0x56: {  	_ =	shalt  }
0x57: {  	_ =	shalt  }
0x58: {  	_ =	shalt  }
0x59: {  	_ =	shalt  }
0x5a: {  	_ =	shalt  }
0x5b: {  	_ =	shalt  }
0x5c: {  	_ =	shalt  }
0x5d: {  	_ =	shalt  }
0x5e: {  	_ =	shalt  }
0x5f: {  	_ =	shalt  }
0x60: {  	_ =	shalt  }
0x61: {  	_ =	shalt  }
0x62: {  	_ =	shalt  }
0x63: {  	_ =	shalt  }
0x64: {  	_ =	shalt  }
0x65: {  	_ =	shalt  }
0x66: {  	_ =	shalt  }
0x67: {  	_ =	shalt  }
0x68: {  	_ =	shalt  }
0x69: {  	_ =	shalt  }
0x6a: {  	_ =	shalt  }
0x6b: {  	_ =	shalt  }
0x6c: {  	_ =	shalt  }
0x6d: {  	_ =	shalt  }
0x6e: {  	_ =	shalt  }
0x6f: {  	_ =	shalt  }
0x70: {  	_ =	shalt  }
0x71: {  	_ =	shalt  }
0x72: {  	_ =	shalt  }
0x73: {  	_ =	shalt  }
0x74: {  	_ =	shalt  }
0x75: {  	_ =	shalt  }
0x76: {  	_ =	shalt  }
0x77: {  	_ =	shalt  }
0x78: {  	_ =	shalt  }
0x79: {  	_ =	shalt  }
0x7a: {  	_ =	shalt  }
0x7b: {  	_ =	shalt  }
0x7c: {  	_ =	shalt  }
0x7d: {  	_ =	shalt  }
0x7e: {  	_ =	shalt  }
0x7f: {  	_ =	shalt  }
0x80: {  	_ =	shalt  }
0x81: {  	_ =	shalt  }
0x82: {  	_ =	shalt  }
0x83: {  	_ =	shalt  }
0x84: {  	_ =	shalt  }
0x85: {  	_ =	shalt  }
0x86: {  	_ =	shalt  }
0x87: {  	_ =	shalt  }
.Lfunc_end0:
.L_simem_size_0:
called_computation_lowered:
.L_overlay_start_0:
0x88: {  	s2 =	sld [smem:$0x3FD9]  }
0x89: {  	s3 =	sld [smem:$0x3FFE];
	_ =	sdelay $0x1  }
0x8a: {  	s1 =	srdreg.scid  }
0x8b: {  	s0 =	sand.u32 $0x1, s1  }
0x8c: {  	s16 =	sshll.u32 s0, $0xA;
	s2 =	sadd.s32 s3, s2  }
0x8d: {  	s2 =	sadd.s32 s2, s16  }
0x8e: {  	[smem:$0x3FB4] =	sst s2  }
0x8f: {  	_ = 	snop  }
0x90: {  	(tm) =	ssettm $0x1  }
0x91: {  	s17 =	sld [smem:$0x3FFB];
	_ =	sdelay $0x3  }
0x92: {  	_ =	strace s17  }
0x93: {  	s2 =	sld [smem:$0x3FFC];
	_ =	sdelay $0x3  }
0x94: {  	_ =	strace s2  }
0x95: {  	s2 =	sld [smem:$0x3FFD];
	_ =	sdelay $0x3  }
0x96: {  	_ =	strace s2  }
0x97: {  	_ =	strace $0x8FFFFFFF  }
0x98: {  	s18 =	sld [smem:$0x3FDB];
	_ =	sdelay $0x1  }
0x99: {  	s19 =	simm.s32 $_scs_section_size  }
0x9a: {  	s4 =	simm.s32 $_size__tile_overlayer_lowered;
	s5 =	simm.s32 $_tile_overlayer_lowered  }
0x9b: {  	s22 =	simm.s32 $0x1BFF;
	s21 =	sshll.u32 s5, $0x1;
	s2 =	sadd.s32 s19, s18  }
0x9c: {  	s6 =	simm.s32 $0x0;
	s20 =	sshll.u32 s4, $0x1;
	s4 =	sadd.s32 s21, s2  }
0x9d: {  	[timem:s6], [sflag:s22] =	dma.local [hbm:s4], s20  }
0x9e: {  	_ =	swait.ge [sflag:s22], s20  }
0x9f: {  	s3 =	ssub.s32 $0x0, s20;
	[sflag:s22] =	ssyncset.done $0x0  }
0xa0: {  	[sflag:s22] =	ssyncadd.s32 s3;
	_ =	sdelay $0x1  }
0xa1: {  	s23 =	simm.s32 $0x1B8B  }
0xa2: {  	_ =	swait.ge [sflag:s23], $0x1  }
0xa3: {  	[sflag:s23] =	ssyncset.done $0x0  }
0xa4: {  	s25 =	simm.s32 $0x1B8E;
	s24 =	sld [smem:$0x3FFE];
	[sflag:s23] =	ssyncadd.s32 $0xFFFFFFFF  }
0xa5: {  	s26 =	simm.s32 $execute0_lowered;
	[smem:$0x3FD2] =	sst s25  }
0xa6: {  	s4 =	sshll.u32 s26, $0x1;
	_ =	strace $0x80000046;
	[dreg:$0x1] =	wrdreg $0xFFFFFFFF  }
0xa7: {  	s28 =	simm.s32 $_size_execute0_lowered;
	s2 =	sadd.s32 s2, s4;
	[dreg:$0x0] =	wrdreg $0x0  }
0xa8: {  	s4 =	sshll.u32 s28, $0x1;
	[dreg:$0x2] =	wrdreg s2  }
0xa9: {  	[dreg:$0x3] =	wrdreg s4  }
0xaa: {  	[dreg:$0x4] =	wrdreg $0xC0  }
0xab: {  	_ =	task [dreg:s6], $0x5FFFF  }
0xac: {  	[dreg:$0x1] =	wrdreg $0xFFFFFFFF  }
0xad: {  	[dreg:$0x0] =	wrdreg $0x60  }
0xae: {  	[dreg:$0x2] =	wrdreg s24  }
0xaf: {  	[dreg:$0x3] =	wrdreg $0x9  }
0xb0: {  	_ =	task.clear_ibuf [dreg:s6], $0x4FFFF;
	_ =	strace $0x90000046  }
0xb1: {  	s29 =	simm.s32 $0x9;
	_ =	strace $0x80000048  }
0xb2: {  	_ =	swait.ge [sflag:s29], $0x1  }
0xb3: {  	[sflag:s29] =	ssyncadd.s32 $0xFFFFFFFF  }
0xb4: {  	_ =	strace $0x90000048  }
0xb5: {  	_ =	sfence  }
0xb6: {  	s30 =	sld [smem:$0x0];
	_ =	sdelay $0x2  }
0xb7: {  	s31 =	sshll.u32 s1, $0xD;
	s1 =	sshrl.u32 s1, $0x2  }
0xb8: {  	s3 =	sand.u32 $0x4000, s31;
	s1 =	sadd.s32 s1, s30  }
0xb9: {  	s0 =	sor.u32 s3, s0;
	s1 =	sshll.u32 s1, $0x11  }
0xba: {  	s0 =	sor.u32 s1, s0  }
0xbb: {  	s0 =	sadd.s32 $0x8F2B, s0  }
0xbc: {  	[sflag:s0] =	ssyncadd.remote.s32 $0x1  }
0xbd: {  	_ =	sfence.sel $0xFFFF  }
0xbe: {  	[dreg:$0x0] =	wrdreg $0xFFFFFFFF;
	(pc) =	sbr.abs _section_cstart, $3  }
0xbf: {  	[dreg:$0x1] =	wrdreg $0xFFFFFFFF  }
0xc0: {  	_ =	task.clear_ibuf [dreg:s6], $0x2FFFF;
	_ =	strace $0x9FFFFFFF  }
0xc1: {  	(tm) =	ssettm $0x7FFFFFFF  }
tec
execute0_lowered:
.L_overlay_start_1:
0x0: {  	(tag) =	ssettag $0x1  }
0x1: {  	s1 =	srdreg.scid  }
0x2: {  	s0 =	stileid.u32;
	s4 =	rddreg [dreg:$0x0];
	s2 =	simm.s32 $0x0  }
0x3: {  	s9 =	simm.s32 $0x1;
	s3 =	sand.u32 $0x1, s1;
	s5 =	sshll.u32 s0, $0x1  }
0x4: {  	s10 =	simm.s32 $0x0;
	s1 =	rddreg [dreg:$0x1];
	s5 =	sor.u32 s3, s5  }
0x5: {  	[smem:$0x7FF] =	sst s2;
	s7 =	ssub.s32 $0x2, s3;
	s6 =	smul.u32 $0x1A0, s5  }
0x6: {  	_ =	strace $0x80000047;
	s5 =	smul.u32 $0x1A00, s5;
	s8 =	sshrl.u32 s7, $0x1  }
0x7: {  	s3 =	sadd.s32 $0x2C00, s4;
	s7 =	ssub.s32 s7, s8;
	s6 =	sadd.s32 s6, s4  }
0x8: {  	v0 =	vlaneseq.u32;
	s8 =	simm.s32 $0xD00;
	s5 =	sadd.s32 s5, s4;
	s4 =	sadd.s32 $0xF800, s6  }
0x9: {  	v1 =	vadd.s32 $0xFFFFFFE6, v0;
	s5 =	sadd.s32 $0x12C00, s5;
	s6 =	smax.u32 s7, $0x1;
	s7 =	simm.s32 $0x2  }
.LBB2_1:
0xa: {  	s11 =	smul.u32 $0x4EC5, s2  }
0xb: {  	[tilespmem:s2], [sflag:$0x2] =	stream.linear.gather [hbm4b:s4+s2], $0xD00, $0x38;
	[tilespmem:$0xDD00] =	vst v63  }
0xc: {  	s11 =	sshrl.u32 s11, $0x13  }
0xd: {  	s11 =	smul.u32 $0x1A, s11  }
0xe: {  	_ =	swait.ge [sflag:s7], $0xD00  }
0xf: {  	[sflag:s7] =	ssyncset.done $0x0;
	s12 =	ssub.s32 $0x0, s11  }
0x10: {  	[sflag:s7] =	ssyncadd.s32 $0xFFFFF300;
	s11 =	simm.s32 $0x10;
	s14 =	sand.u32 $0xFFFF, s12  }
0x11: {  	s13 =	simm.s32 $0x20;
	v2 =	vld [tilespmem:s2+$0x0];
	s15 =	smul.u32 $0x4EC5, s11;
	s12 =	simm.s32 $0x0;
	v3 =	vadd.s32 s14, v0  }
.LBB2_2:
0x12: {  	_ = 	snop  }
0x13: {  	p0 =	sne.s32 s13, $0xCF0;
	vm0 =	vgt.u32 v3, $0x19;
	v4 =	vadd.s32 s14, v1;
	s14 =	sshrl.u32 s15, $0x13  }
0x14: {  	v3 =	vsel vm0, v4, v3;
	s14 =	smul.u32 $0x1A, s14  }
.Ltmp0:
0x15: {  	v3 =	vmul.u32 $0x3E8, v3;
	(pc) =	sbr.rel @p0 .LBB2_2-.Ltmp0, $4  }
0x16: {  	_ = 	snop  }
0x17: {  	s14 =	ssub.s32 s11, s14;
	v2 =	vadd.s32 v3, v2;
	s11 =	smov.u32 s13  }
0x18: {  	s14 =	sand.u32 $0xFFFF, s14;
	[tilespmem:s12+$0x0] =	vst v2;
	s12 =	sadd.s32 $0x10, s12  }
0x19: {  	s13 =	sadd.s32 $0x10, s13;
	s15 =	smul.u32 $0x4EC5, s11;
	v3 =	vadd.s32 s14, v0;
	v2 =	vld [tilespmem:s12+$0x0]  }
0x1a: {  	vm0 =	vgt.u32 v3, $0x19;
	v4 =	vadd.s32 s14, v1  }
0x1b: {  	s13 =	sshrl.u32 s15, $0x13;
	v3 =	vsel vm0, v4, v3  }
0x1c: {  	s13 =	smul.u32 $0x1A, s13;
	v3 =	vmul.u32 $0x3E8, v3;
	_ =	sdelay $0x1  }
0x1d: {  	s11 =	ssub.s32 s11, s13;
	v2 =	vadd.s32 v3, v2  }
0x1e: {  	s31 =	sadd.s32 $0x10, s12;
	s11 =	sand.u32 $0xFFFF, s11;
	[tilespmem:s12+$0x0] =	vst v2  }
0x1f: {  	v2 =	vadd.s32 s11, v0;
	v3 =	vld [tilespmem:s31+$0x0]  }
0x20: {  	v63 =	vadd.s32 s11, v1;
	vm15 =	vgt.u32 v2, $0x19  }
0x21: {  	v2 =	vsel vm15, v63, v2  }
0x22: {  	v2 =	vmul.u32 $0x3E8, v2;
	_ =	sdelay $0x1  }
0x23: {  	v2 =	vadd.s32 v2, v3  }
0x24: {  	[tilespmem:s31+$0x0] =	vst v2  }
0x25: {  	[tilespmem:s8], [sflag:$0x1] =	stream.indirect.gather [hbm4b:s3+s8], $0x10, s2, s8, $0xb8;
	[tilespmem:$0xDD00] =	vst v63  }
0x26: {  	s10 =	sadd.s32 $0x1, s10;
	_ =	swait.ge [sflag:s9], $0xD000  }
0x27: {  	p0 =	sne.s32 s10, s6;
	[sflag:s9] =	ssyncset.done $0x0  }
.Ltmp1:
0x28: {  	[sflag:s9] =	ssyncadd.s32 $0xFFFF3000;
	(pc) =	sbr.rel @p0 .LBB2_1-.Ltmp1, $4  }
0x29: {  	[hbm4b:s5+s2] =	stream.linear.scatter [tilespmem:s8], [sflag:$0x2], $0xD000, $0x38;
	[tilespmem:$0xDD00] =	vst v63  }
0x2a: {  	_ =	swait.ge [sflag:s7], $0xD000  }
0x2b: {  	[sflag:s7] =	ssyncset.done $0x0  }
0x2c: {  	[sflag:s7] =	ssyncadd.s32 $0xFFFF3000  }
0x2d: {  	_ =	sfence.sel $0x180000  }
0x2e: {  	[bflag:$0x0] =	sbarrier.arrive $0xFFFF  }
0x2f: {  	p0 =	sne.s32 s0, $0x0;
	_ =	strace $0x90000047  }
0x30: {  	s0 =	sadd.s32 @!p0 $0x100000, s1;
	[bflag:$0x2] =	sbarrier.arrive $0xFFFF  }
0x31: {  	[sflag:s0] =	ssyncadd.tile.s32 @!p0 $0x1;
	_ =	shalt  }
.Lfunc_end2:
_tile_overlayer_lowered:
.L_overlay_start_2:
0x32: {  	(tag) =	ssettag $0x2  }
0x33: {  	s0 =	rddreg [dreg:$0x0];
	s2 =	stileid.u32  }
0x34: {  	s1 =	rddreg [dreg:$0x1];
	p0 =	sne.s32 s2, $0x0  }
0x35: {  	s3 =	rddreg [dreg:$0x2];
	[bflag:$0x3] =	sbarrier.arrive $0xFFFF;
	s2 =	simm.s32 @!p0 $0x1C02  }
0x36: {  	[timem:s3], [sflag:s2] =	dma.local @!p0 [hbm:s0], s1  }
0x37: {  	s0 =	simm.s32 @!p0 $0x2  }
0x38: {  	_ =	swait.ge @!p0 [sflag:s0], s1  }
0x39: {  	s1 =	ssub.s32 @!p0 $0x0, s1;
	[sflag:s0] =	ssyncset.done @!p0 $0x0  }
0x3a: {  	[sflag:s0] =	ssyncadd.s32 @!p0 s1  }
0x3b: {  	[bflag:$0x3] =	sbarrier.arrive $0xFFFF  }
0x3c: {  	_ =	shalt  }

</sc_bundles>
